<compile_context>
chip_gen: v7x
topology: tpu7x:2x2x1
jax: 0.10.2.dev20260603
libtpu: 0.0.44.dev20260713+nightly
codegen_flags: <defaults>
</compile_context>

<pallas_src>
import jax
import jax.numpy as jnp
from jax import lax
from jax.experimental import pallas as pl
from jax.experimental.pallas import tpu as pltpu
from jax.experimental.pallas import tpu_sc as plsc

NUM_ENTITIES = 1000000
NUM_RELATIONS = 1000
EMBED_DIM = 64
BATCH = 16384

NC = 2
NS = 16
NW = NC * NS
ROWS_PER_W = BATCH // NW
CHUNK = 64
NCHUNK = ROWS_PER_W // CHUNK
LANES = 16
NVEC = EMBED_DIM // LANES
GRP = 8
NGRP = NUM_ENTITIES // GRP

_GATHER_DNUMS = lax.GatherDimensionNumbers(
    offset_dims=(), collapsed_slice_dims=(0,), start_index_map=(0,))


def _permute(x, idx):
    return lax.gather(x, idx[:, None], _GATHER_DNUMS, (1,),
                      mode=lax.GatherScatterMode.PROMISE_IN_BOUNDS)


def _tec_body(heads_hbm, rels_hbm, ent_hbm, rel_hbm, out_hbm,
              hvec, rvec, reltab, ebuf0, ebuf1, outbuf, sem0, sem1):
    wid = lax.axis_index("c") * NS + lax.axis_index("s")
    base = wid * ROWS_PER_W

    pltpu.sync_copy(heads_hbm.at[pl.ds(base, ROWS_PER_W)],
                    hvec.at[pl.ds(0, ROWS_PER_W)])
    pltpu.sync_copy(rels_hbm.at[pl.ds(base, ROWS_PER_W)],
                    rvec.at[pl.ds(0, ROWS_PER_W)])
    pltpu.sync_copy(rel_hbm, reltab)

    iota = lax.iota(jnp.int32, LANES)
    perms = [iota ^ sh for sh in (8, 4, 2, 1)]

    def fire(c, ebuf, sem):
        def one(i, _):
            h = hvec[pl.ds(c * CHUNK + i, LANES)][0]
            pltpu.async_copy(
                ent_hbm.at[pl.ds(h, 1)], ebuf.at[pl.ds(i, 1)], sem)
            return 0

        lax.fori_loop(0, CHUNK, one, 0)

    def drain(ebuf, sem):
        pltpu.make_async_copy(out_hbm.at[pl.ds(0, CHUNK)], ebuf, sem).wait()

    def compute(c, ebuf):
        def row(i, _):
            r = rvec[pl.ds(c * CHUNK + i, LANES)][0]
            rq = r >> 1
            rp = (r & 1) * EMBED_DIM
            vs = []
            ss = None
            for k in range(NVEC):
                v = (ebuf[i, pl.ds(k * LANES, LANES)]
                     + reltab[rq, pl.ds(rp + k * LANES, LANES)])
                vs.append(v)
                sq = v * v
                ss = sq if ss is None else ss + sq
            for p in perms:
                ss = ss + _permute(ss, p)
            t = jnp.maximum(ss, jnp.float32(1e-24))
            bits = lax.bitcast_convert_type(t, jnp.int32)
            y = lax.bitcast_convert_type(
                jnp.int32(0x5F3759DF) - (bits >> 1), jnp.float32)
            for _ in range(3):
                y = y * (jnp.float32(1.5) - jnp.float32(0.5) * t * y * y)
            for k in range(NVEC):
                outbuf[i, pl.ds(k * LANES, LANES)] = vs[k] * y
            return 0

        lax.fori_loop(0, CHUNK, row, 0)
        pltpu.sync_copy(outbuf, out_hbm.at[pl.ds(base + c * CHUNK, CHUNK)])

    fire(0, ebuf0, sem0)

    def pair(k, _):
        c0 = 2 * k
        fire(c0 + 1, ebuf1, sem1)
        drain(ebuf0, sem0)
        compute(c0, ebuf0)

        @pl.when(k + 1 < NCHUNK // 2)
        def _():
            fire(c0 + 2, ebuf0, sem0)

        drain(ebuf1, sem1)
        compute(c0 + 1, ebuf1)
        return 0

    lax.fori_loop(0, NCHUNK // 2, pair, 0)


@jax.jit
def _run(heads, rels, ent3, rel2):
    mesh = plsc.VectorSubcoreMesh(
        core_axis_name="c", subcore_axis_name="s",
        num_cores=NC, num_subcores=NS)
    return pl.kernel(
        _tec_body,
        out_type=jax.ShapeDtypeStruct((BATCH, EMBED_DIM), jnp.float32),
        mesh=mesh,
        scratch_types=[
            pltpu.VMEM((ROWS_PER_W + LANES,), jnp.int32),
            pltpu.VMEM((ROWS_PER_W + LANES,), jnp.int32),
            pltpu.VMEM((NUM_RELATIONS // 2, 2 * EMBED_DIM), jnp.float32),
            pltpu.VMEM((CHUNK, EMBED_DIM), jnp.float32),
            pltpu.VMEM((CHUNK, EMBED_DIM), jnp.float32),
            pltpu.VMEM((CHUNK, EMBED_DIM), jnp.float32),
            pltpu.SemaphoreType.DMA,
            pltpu.SemaphoreType.DMA,
        ],
    )(heads, rels, ent3, rel2)


def kernel(heads, relations, entity_table, relation_table):
    heads = jnp.asarray(heads, jnp.int32)
    relations = jnp.asarray(relations, jnp.int32)
    rel2 = relation_table.reshape(NUM_RELATIONS // 2, 2 * EMBED_DIM)
    return _run(heads, relations, entity_table, rel2)

# --- scband reference (transcript-rebuilt; emitter-appended) ---
"""Pipeline reference for scband-trans-e-25443386262340 (READ-ONLY COPY).

The authoritative reference and input builder live on the scoring server;
editing this copy changes nothing except your own understanding.
"""

import jax, jax.numpy as jnp
import numpy as np

NUM_ENTITIES = 1000000
NUM_RELATIONS = 1000
EMBED_DIM = 64
BATCH = 16384


def setup_inputs(seed: int = 0) -> dict:
    key = jax.random.key(seed)
    k1, k2, k3, k4 = jax.random.split(key, 4)
    heads = jax.random.randint(k1, (BATCH,), 0, NUM_ENTITIES, dtype=jnp.int64 if jax.config.read('jax_enable_x64') else jnp.int32)
    relations = jax.random.randint(k2, (BATCH,), 0, NUM_RELATIONS, dtype=jnp.int64 if jax.config.read('jax_enable_x64') else jnp.int32)
    # learned parameters
    # entity embeddings: default nn.Embedding init ~ N(0,1)
    entity_table = jax.random.normal(k3, (NUM_ENTITIES, EMBED_DIM), dtype=jnp.float32)
    # relation embeddings: xavier_uniform_
    bound = float(np.sqrt(6.0 / (NUM_RELATIONS + EMBED_DIM)))
    relation_table = jax.random.uniform(k4, (NUM_RELATIONS, EMBED_DIM), dtype=jnp.float32, minval=-bound, maxval=bound)
    return {"heads": heads, "relations": relations, "entity_table": entity_table, "relation_table": relation_table}


def reference(heads, relations, entity_table, relation_table):
    # head_embeddings = self.entity_embeddings(heads)
    head_embeddings = jnp.take(entity_table, heads, axis=0)
    # relation_embeddings = self.relation_embeddings(relations)
    relation_embeddings = jnp.take(relation_table, relations, axis=0)
    # inverse is None, dropout is None, bases are None
    out = head_embeddings + relation_embeddings
    # F.normalize(out, p=2, dim=1) with eps=1e-12
    norm = jnp.maximum(jnp.linalg.norm(out, ord=2, axis=1, keepdims=True), 1e-12)
    out = out / norm
    return out


if False:  # reference __main__ guard neutralized (emitter)
    inp = setup_inputs()
    o = reference(**inp)
    print(o.shape, o.dtype)

if __name__ == "__main__":
    import jax
    _d = setup_inputs()
    print(jax.jit(kernel)(*tuple(_d.values())))

</pallas_src>

<mosaic_0001>
#map = affine_map<(d0, d1) -> (0)>
#map1 = affine_map<(d0, d1) -> (0, 0)>
module attributes {stable_mosaic.version = 14 : i64} {
  func.func @_tec_body(%arg0: i32, %arg1: i32, %arg2: memref<16384xi32, #tpu.memory_space<hbm>>, %arg3: memref<16384xi32, #tpu.memory_space<hbm>>, %arg4: memref<1000000x64xf32, #tpu.memory_space<hbm>>, %arg5: memref<500x128xf32, #tpu.memory_space<hbm>>, %arg6: memref<16384x64xf32, #tpu.memory_space<hbm>>, %arg7: memref<528xi32, #tpu.memory_space<vmem>>, %arg8: memref<528xi32, #tpu.memory_space<vmem>>, %arg9: memref<500x128xf32, #tpu.memory_space<vmem>>, %arg10: memref<64x64xf32, #tpu.memory_space<vmem>>, %arg11: memref<64x64xf32, #tpu.memory_space<vmem>>, %arg12: memref<64x64xf32, #tpu.memory_space<vmem>>, %arg13: memref<!tpu.dma_semaphore, #tpu.memory_space<semaphore_mem>>, %arg14: memref<!tpu.dma_semaphore, #tpu.memory_space<semaphore_mem>>) attributes {dimension_semantics = [#tpu.dimension_semantics<core_parallel>, #tpu.dimension_semantics<subcore_parallel>], iteration_bounds = array<i64: 2, 16>, scalar_prefetch = 0 : i64, scratch_operands = 8 : i64, tpu.core_type = #tpu.core_type<sc_vector_subcore>, window_params = [{transform_indices = #map}, {transform_indices = #map}, {transform_indices = #map1}, {transform_indices = #map1}, {transform_indices = #map1}]} {
    %mul3A = arith.constant 16 : i32
    %mul3A_0 = arith.muli %arg0, %mul3A : i32
    %add3A = arith.addi %mul3A_0, %arg1 : i32
    %mul3A_1 = arith.constant 512 : i32
    %mul3A_2 = arith.muli %add3A, %mul3A_1 : i32
    "tpu.region"() ({
      %run_scoped3A = tpu.sem_alloc : memref<!tpu.dma_semaphore, #tpu.memory_space<semaphore_mem>>
      %dma_start3A = arith.constant 0 : i32
      %dma_start3A_27 = tpu.memref_slice %arg7[%dma_start3A] : memref<528xi32, #tpu.memory_space<vmem>> -> memref<512xi32, #tpu.memory_space<vmem>>
      %dma_start3A_28 = tpu.memref_slice %arg2[%mul3A_2] : memref<16384xi32, #tpu.memory_space<hbm>> -> memref<512xi32, #tpu.memory_space<hbm>>
      %dma_start3A_29 = arith.constant 0 : i32
      %dma_start3A_30 = tpu.memref_slice %arg7[%dma_start3A_29] : memref<528xi32, #tpu.memory_space<vmem>> -> memref<512xi32, #tpu.memory_space<vmem>>
      %dma_start3A_31 = tpu.memref_slice %arg2[%mul3A_2] : memref<16384xi32, #tpu.memory_space<hbm>> -> memref<512xi32, #tpu.memory_space<hbm>>
      tpu.enqueue_dma source(%dma_start3A_31 : memref<512xi32, #tpu.memory_space<hbm>>) target(%dma_start3A_30 : memref<512xi32, #tpu.memory_space<vmem>>) target_semaphore(%run_scoped3A : memref<!tpu.dma_semaphore, #tpu.memory_space<semaphore_mem>>)
      %dma_wait3A = arith.constant 0 : i32
      %dma_wait3A_32 = tpu.memref_slice %arg7[%dma_wait3A] : memref<528xi32, #tpu.memory_space<vmem>> -> memref<512xi32, #tpu.memory_space<vmem>>
      %dma_wait3A_33 = tpu.memref_slice %arg2[%mul3A_2] : memref<16384xi32, #tpu.memory_space<hbm>> -> memref<512xi32, #tpu.memory_space<hbm>>
      %dma_wait3A_34 = arith.constant 0 : i32
      %dma_wait3A_35 = tpu.memref_slice %arg7[%dma_wait3A_34] : memref<528xi32, #tpu.memory_space<vmem>> -> memref<512xi32, #tpu.memory_space<vmem>>
      %dma_wait3A_36 = tpu.memref_slice %arg2[%mul3A_2] : memref<16384xi32, #tpu.memory_space<hbm>> -> memref<512xi32, #tpu.memory_space<hbm>>
      tpu.wait_dma2 semaphore(%run_scoped3A : memref<!tpu.dma_semaphore, #tpu.memory_space<semaphore_mem>>) src(%dma_wait3A_36 : memref<512xi32, #tpu.memory_space<hbm>>) dst(%dma_wait3A_35 : memref<512xi32, #tpu.memory_space<vmem>>)
      tpu.yield
    }) : () -> ()
    "tpu.region"() ({
      %run_scoped3A = tpu.sem_alloc : memref<!tpu.dma_semaphore, #tpu.memory_space<semaphore_mem>>
      %dma_start3A = arith.constant 0 : i32
      %dma_start3A_27 = tpu.memref_slice %arg8[%dma_start3A] : memref<528xi32, #tpu.memory_space<vmem>> -> memref<512xi32, #tpu.memory_space<vmem>>
      %dma_start3A_28 = tpu.memref_slice %arg3[%mul3A_2] : memref<16384xi32, #tpu.memory_space<hbm>> -> memref<512xi32, #tpu.memory_space<hbm>>
      %dma_start3A_29 = arith.constant 0 : i32
      %dma_start3A_30 = tpu.memref_slice %arg8[%dma_start3A_29] : memref<528xi32, #tpu.memory_space<vmem>> -> memref<512xi32, #tpu.memory_space<vmem>>
      %dma_start3A_31 = tpu.memref_slice %arg3[%mul3A_2] : memref<16384xi32, #tpu.memory_space<hbm>> -> memref<512xi32, #tpu.memory_space<hbm>>
      tpu.enqueue_dma source(%dma_start3A_31 : memref<512xi32, #tpu.memory_space<hbm>>) target(%dma_start3A_30 : memref<512xi32, #tpu.memory_space<vmem>>) target_semaphore(%run_scoped3A : memref<!tpu.dma_semaphore, #tpu.memory_space<semaphore_mem>>)
      %dma_wait3A = arith.constant 0 : i32
      %dma_wait3A_32 = tpu.memref_slice %arg8[%dma_wait3A] : memref<528xi32, #tpu.memory_space<vmem>> -> memref<512xi32, #tpu.memory_space<vmem>>
      %dma_wait3A_33 = tpu.memref_slice %arg3[%mul3A_2] : memref<16384xi32, #tpu.memory_space<hbm>> -> memref<512xi32, #tpu.memory_space<hbm>>
      %dma_wait3A_34 = arith.constant 0 : i32
      %dma_wait3A_35 = tpu.memref_slice %arg8[%dma_wait3A_34] : memref<528xi32, #tpu.memory_space<vmem>> -> memref<512xi32, #tpu.memory_space<vmem>>
      %dma_wait3A_36 = tpu.memref_slice %arg3[%mul3A_2] : memref<16384xi32, #tpu.memory_space<hbm>> -> memref<512xi32, #tpu.memory_space<hbm>>
      tpu.wait_dma2 semaphore(%run_scoped3A : memref<!tpu.dma_semaphore, #tpu.memory_space<semaphore_mem>>) src(%dma_wait3A_36 : memref<512xi32, #tpu.memory_space<hbm>>) dst(%dma_wait3A_35 : memref<512xi32, #tpu.memory_space<vmem>>)
      tpu.yield
    }) : () -> ()
    "tpu.region"() ({
      %run_scoped3A = tpu.sem_alloc : memref<!tpu.dma_semaphore, #tpu.memory_space<semaphore_mem>>
      tpu.enqueue_dma source(%arg5 : memref<500x128xf32, #tpu.memory_space<hbm>>) target(%arg9 : memref<500x128xf32, #tpu.memory_space<vmem>>) target_semaphore(%run_scoped3A : memref<!tpu.dma_semaphore, #tpu.memory_space<semaphore_mem>>)
      tpu.wait_dma2 semaphore(%run_scoped3A : memref<!tpu.dma_semaphore, #tpu.memory_space<semaphore_mem>>) src(%arg5 : memref<500x128xf32, #tpu.memory_space<hbm>>) dst(%arg9 : memref<500x128xf32, #tpu.memory_space<vmem>>)
      tpu.yield
    }) : () -> ()
    %iota3A = tpu.iota {dimensions = array<i32: 0>} : vector<16xi32>
    %xor3A = arith.constant 8 : i32
    %xor3A_3 = vector.broadcast %xor3A : i32 to vector<16xi32>
    %xor3A_4 = arith.xori %iota3A, %xor3A_3 : vector<16xi32>
    %xor3A_5 = arith.constant 4 : i32
    %xor3A_6 = vector.broadcast %xor3A_5 : i32 to vector<16xi32>
    %xor3A_7 = arith.xori %iota3A, %xor3A_6 : vector<16xi32>
    %xor3A_8 = arith.constant 2 : i32
    %xor3A_9 = vector.broadcast %xor3A_8 : i32 to vector<16xi32>
    %xor3A_10 = arith.xori %iota3A, %xor3A_9 : vector<16xi32>
    %xor3A_11 = arith.constant 1 : i32
    %xor3A_12 = vector.broadcast %xor3A_11 : i32 to vector<16xi32>
    %xor3A_13 = arith.xori %iota3A, %xor3A_12 : vector<16xi32>
    %scan3A = arith.constant 0 : i32
    %scan3A_14 = arith.constant 0 : i32
    %scan3A_15 = arith.constant 64 : i32
    %scan3A_16 = arith.addi %scan3A_14, %scan3A_15 : i32
    %scan3A_17 = arith.constant 1 : i32
    %scan3A_18 = scf.for %scan3A_27 = %scan3A_14 to %scan3A_16 step %scan3A_17 iter_args(%scan3A_28 = %scan3A) -> (i32)  : i32 {
      %add3A_29 = arith.constant 0 : i32
      %add3A_30 = arith.addi %add3A_29, %scan3A_27 : i32
      %get3A = arith.index_cast %add3A_30 : i32 to index
      %get3A_31 = tpu.vector_load %arg7[%get3A] {strides = array<i32>} : memref<528xi32, #tpu.memory_space<vmem>>, vector<16xi32>,
      %get3A_32 = vector.shape_cast %get3A_31 : vector<16xi32> to vector<16xi32>
      %slice3A = vector.extract_strided_slice %get3A_32 {offsets = [0], sizes = [1], strides = [1]} : vector<16xi32> to vector<1xi32>
      %squeeze3A = vector.extract %slice3A[0] : i32 from vector<1xi32>
      %dma_start3A = arith.constant 0 : i32
      %dma_start3A_33 = tpu.memref_slice %arg10[%scan3A_27, %dma_start3A] : memref<64x64xf32, #tpu.memory_space<vmem>> -> memref<1x64xf32, #tpu.memory_space<vmem>>
      %dma_start3A_34 = arith.constant 0 : i32
      %dma_start3A_35 = tpu.memref_slice %arg4[%squeeze3A, %dma_start3A_34] : memref<1000000x64xf32, #tpu.memory_space<hbm>> -> memref<1x64xf32, #tpu.memory_space<hbm>>
      %dma_start3A_36 = arith.constant 0 : i32
      %dma_start3A_37 = tpu.memref_slice %arg10[%scan3A_27, %dma_start3A_36] : memref<64x64xf32, #tpu.memory_space<vmem>> -> memref<1x64xf32, #tpu.memory_space<vmem>>
      %dma_start3A_38 = arith.constant 0 : i32
      %dma_start3A_39 = tpu.memref_slice %arg4[%squeeze3A, %dma_start3A_38] : memref<1000000x64xf32, #tpu.memory_space<hbm>> -> memref<1x64xf32, #tpu.memory_space<hbm>>
      tpu.enqueue_dma source(%dma_start3A_39 : memref<1x64xf32, #tpu.memory_space<hbm>>) target(%dma_start3A_37 : memref<1x64xf32, #tpu.memory_space<vmem>>) target_semaphore(%arg13 : memref<!tpu.dma_semaphore, #tpu.memory_space<semaphore_mem>>)
      %scan3A_40 = arith.constant 0 : i32
      scf.yield %scan3A_40 : i32
    }
    %scan3A_19 = arith.constant 64 : i32
    %scan3A_20 = arith.constant 0 : i32
    %scan3A_21 = arith.constant 0 : i32
    %scan3A_22 = arith.constant 4 : i32
    %scan3A_23 = arith.addi %scan3A_21, %scan3A_22 : i32
    %scan3A_24 = arith.constant 1 : i32
    %scan3A_25 = scf.for %scan3A_27 = %scan3A_21 to %scan3A_23 step %scan3A_24 iter_args(%scan3A_28 = %scan3A_20) -> (i32)  : i32 {
      %mul3A_29 = arith.constant 2 : i32
      %mul3A_30 = arith.muli %mul3A_29, %scan3A_27 : i32
      %add3A_31 = arith.constant 1 : i32
      %add3A_32 = arith.addi %mul3A_30, %add3A_31 : i32
      %scan3A_33 = arith.constant 0 : i32
      %scan3A_34 = arith.constant 0 : i32
      %scan3A_35 = arith.constant 64 : i32
      %scan3A_36 = arith.addi %scan3A_34, %scan3A_35 : i32
      %scan3A_37 = arith.constant 1 : i32
      %scan3A_38 = scf.for %scan3A_78 = %scan3A_34 to %scan3A_36 step %scan3A_37 iter_args(%scan3A_79 = %scan3A_33) -> (i32)  : i32 {
        %mul3A_80 = arith.constant 64 : i32
        %mul3A_81 = arith.muli %add3A_32, %mul3A_80 : i32
        %add3A_82 = arith.addi %mul3A_81, %scan3A_78 : i32
        %get3A = arith.index_cast %add3A_82 : i32 to index
        %get3A_83 = tpu.vector_load %arg7[%get3A] {strides = array<i32>} : memref<528xi32, #tpu.memory_space<vmem>>, vector<16xi32>,
        %get3A_84 = vector.shape_cast %get3A_83 : vector<16xi32> to vector<16xi32>
        %slice3A = vector.extract_strided_slice %get3A_84 {offsets = [0], sizes = [1], strides = [1]} : vector<16xi32> to vector<1xi32>
        %squeeze3A = vector.extract %slice3A[0] : i32 from vector<1xi32>
        %dma_start3A = arith.constant 0 : i32
        %dma_start3A_85 = tpu.memref_slice %arg11[%scan3A_78, %dma_start3A] : memref<64x64xf32, #tpu.memory_space<vmem>> -> memref<1x64xf32, #tpu.memory_space<vmem>>
        %dma_start3A_86 = arith.constant 0 : i32
        %dma_start3A_87 = tpu.memref_slice %arg4[%squeeze3A, %dma_start3A_86] : memref<1000000x64xf32, #tpu.memory_space<hbm>> -> memref<1x64xf32, #tpu.memory_space<hbm>>
        %dma_start3A_88 = arith.constant 0 : i32
        %dma_start3A_89 = tpu.memref_slice %arg11[%scan3A_78, %dma_start3A_88] : memref<64x64xf32, #tpu.memory_space<vmem>> -> memref<1x64xf32, #tpu.memory_space<vmem>>
        %dma_start3A_90 = arith.constant 0 : i32
        %dma_start3A_91 = tpu.memref_slice %arg4[%squeeze3A, %dma_start3A_90] : memref<1000000x64xf32, #tpu.memory_space<hbm>> -> memref<1x64xf32, #tpu.memory_space<hbm>>
        tpu.enqueue_dma source(%dma_start3A_91 : memref<1x64xf32, #tpu.memory_space<hbm>>) target(%dma_start3A_89 : memref<1x64xf32, #tpu.memory_space<vmem>>) target_semaphore(%arg14 : memref<!tpu.dma_semaphore, #tpu.memory_space<semaphore_mem>>)
        %scan3A_92 = arith.constant 0 : i32
        scf.yield %scan3A_92 : i32
      }
      %scan3A_39 = arith.constant 64 : i32
      %dma_wait3A = arith.constant 0 : i32
      %dma_wait3A_40 = arith.constant 0 : i32
      %dma_wait3A_41 = tpu.memref_slice %arg6[%dma_wait3A, %dma_wait3A_40] : memref<16384x64xf32, #tpu.memory_space<hbm>> -> memref<64x64xf32, #tpu.memory_space<hbm>>
      %dma_wait3A_42 = arith.constant 0 : i32
      %dma_wait3A_43 = arith.constant 0 : i32
      %dma_wait3A_44 = tpu.memref_slice %arg6[%dma_wait3A_42, %dma_wait3A_43] : memref<16384x64xf32, #tpu.memory_space<hbm>> -> memref<64x64xf32, #tpu.memory_space<hbm>>
      tpu.wait_dma2 semaphore(%arg13 : memref<!tpu.dma_semaphore, #tpu.memory_space<semaphore_mem>>) src(%dma_wait3A_44 : memref<64x64xf32, #tpu.memory_space<hbm>>) dst(%arg10 : memref<64x64xf32, #tpu.memory_space<vmem>>)
      %scan3A_45 = arith.constant 0 : i32
      %scan3A_46 = arith.constant 0 : i32
      %scan3A_47 = arith.constant 64 : i32
      %scan3A_48 = arith.addi %scan3A_46, %scan3A_47 : i32
      %scan3A_49 = arith.constant 1 : i32
      %scan3A_50 = scf.for %scan3A_78 = %scan3A_46 to %scan3A_48 step %scan3A_49 iter_args(%scan3A_79 = %scan3A_45) -> (i32)  : i32 {
        %mul3A_80 = arith.constant 64 : i32
        %mul3A_81 = arith.muli %mul3A_30, %mul3A_80 : i32
        %add3A_82 = arith.addi %mul3A_81, %scan3A_78 : i32
        %get3A = arith.index_cast %add3A_82 : i32 to index
        %get3A_83 = tpu.vector_load %arg8[%get3A] {strides = array<i32>} : memref<528xi32, #tpu.memory_space<vmem>>, vector<16xi32>,
        %get3A_84 = vector.shape_cast %get3A_83 : vector<16xi32> to vector<16xi32>
        %slice3A = vector.extract_strided_slice %get3A_84 {offsets = [0], sizes = [1], strides = [1]} : vector<16xi32> to vector<1xi32>
        %squeeze3A = vector.extract %slice3A[0] : i32 from vector<1xi32>
        %shift_right_arithmetic3A = arith.constant 1 : i32
        %shift_right_arithmetic3A_85 = arith.shrsi %squeeze3A, %shift_right_arithmetic3A : i32
        %and3A = arith.constant 1 : i32
        %and3A_86 = arith.andi %squeeze3A, %and3A : i32
        %mul3A_87 = arith.constant 64 : i32
        %mul3A_88 = arith.muli %and3A_86, %mul3A_87 : i32
        %get3A_89 = arith.index_cast %scan3A_78 : i32 to index
        %get3A_90 = arith.constant 0 : index
        %get3A_91 = tpu.vector_load %arg10[%get3A_89, %get3A_90] {strides = array<i32>} : memref<64x64xf32, #tpu.memory_space<vmem>>, vector<1x16xf32>,
        %get3A_92 = vector.shape_cast %get3A_91 : vector<1x16xf32> to vector<16xf32>
        %add3A_93 = arith.constant 0 : i32
        %add3A_94 = arith.addi %mul3A_88, %add3A_93 : i32
        %get3A_95 = arith.index_cast %shift_right_arithmetic3A_85 : i32 to index
        %get3A_96 = arith.index_cast %add3A_94 : i32 to index
        %get3A_97 = tpu.vector_load %arg9[%get3A_95, %get3A_96] {strides = array<i32>} : memref<500x128xf32, #tpu.memory_space<vmem>>, vector<1x16xf32>,
        %get3A_98 = vector.shape_cast %get3A_97 : vector<1x16xf32> to vector<16xf32>
        %add3A_99 = arith.addf %get3A_92, %get3A_98 : vector<16xf32>
        %mul3A_100 = arith.mulf %add3A_99, %add3A_99 : vector<16xf32>
        %get3A_101 = arith.index_cast %scan3A_78 : i32 to index
        %get3A_102 = arith.constant 16 : index
        %get3A_103 = tpu.vector_load %arg10[%get3A_101, %get3A_102] {strides = array<i32>} : memref<64x64xf32, #tpu.memory_space<vmem>>, vector<1x16xf32>,
        %get3A_104 = vector.shape_cast %get3A_103 : vector<1x16xf32> to vector<16xf32>
        %add3A_105 = arith.constant 16 : i32
        %add3A_106 = arith.addi %mul3A_88, %add3A_105 : i32
        %get3A_107 = arith.index_cast %shift_right_arithmetic3A_85 : i32 to index
        %get3A_108 = arith.index_cast %add3A_106 : i32 to index
        %get3A_109 = tpu.vector_load %arg9[%get3A_107, %get3A_108] {strides = array<i32>} : memref<500x128xf32, #tpu.memory_space<vmem>>, vector<1x16xf32>,
        %get3A_110 = vector.shape_cast %get3A_109 : vector<1x16xf32> to vector<16xf32>
        %add3A_111 = arith.addf %get3A_104, %get3A_110 : vector<16xf32>
        %mul3A_112 = arith.mulf %add3A_111, %add3A_111 : vector<16xf32>
        %add3A_113 = arith.addf %mul3A_100, %mul3A_112 : vector<16xf32>
        %get3A_114 = arith.index_cast %scan3A_78 : i32 to index
        %get3A_115 = arith.constant 32 : index
        %get3A_116 = tpu.vector_load %arg10[%get3A_114, %get3A_115] {strides = array<i32>} : memref<64x64xf32, #tpu.memory_space<vmem>>, vector<1x16xf32>,
        %get3A_117 = vector.shape_cast %get3A_116 : vector<1x16xf32> to vector<16xf32>
        %add3A_118 = arith.constant 32 : i32
        %add3A_119 = arith.addi %mul3A_88, %add3A_118 : i32
        %get3A_120 = arith.index_cast %shift_right_arithmetic3A_85 : i32 to index
        %get3A_121 = arith.index_cast %add3A_119 : i32 to index
        %get3A_122 = tpu.vector_load %arg9[%get3A_120, %get3A_121] {strides = array<i32>} : memref<500x128xf32, #tpu.memory_space<vmem>>, vector<1x16xf32>,
        %get3A_123 = vector.shape_cast %get3A_122 : vector<1x16xf32> to vector<16xf32>
        %add3A_124 = arith.addf %get3A_117, %get3A_123 : vector<16xf32>
        %mul3A_125 = arith.mulf %add3A_124, %add3A_124 : vector<16xf32>
        %add3A_126 = arith.addf %add3A_113, %mul3A_125 : vector<16xf32>
        %get3A_127 = arith.index_cast %scan3A_78 : i32 to index
        %get3A_128 = arith.constant 48 : index
        %get3A_129 = tpu.vector_load %arg10[%get3A_127, %get3A_128] {strides = array<i32>} : memref<64x64xf32, #tpu.memory_space<vmem>>, vector<1x16xf32>,
        %get3A_130 = vector.shape_cast %get3A_129 : vector<1x16xf32> to vector<16xf32>
        %add3A_131 = arith.constant 48 : i32
        %add3A_132 = arith.addi %mul3A_88, %add3A_131 : i32
        %get3A_133 = arith.index_cast %shift_right_arithmetic3A_85 : i32 to index
        %get3A_134 = arith.index_cast %add3A_132 : i32 to index
        %get3A_135 = tpu.vector_load %arg9[%get3A_133, %get3A_134] {strides = array<i32>} : memref<500x128xf32, #tpu.memory_space<vmem>>, vector<1x16xf32>,
        %get3A_136 = vector.shape_cast %get3A_135 : vector<1x16xf32> to vector<16xf32>
        %add3A_137 = arith.addf %get3A_130, %get3A_136 : vector<16xf32>
        %mul3A_138 = arith.mulf %add3A_137, %add3A_137 : vector<16xf32>
        %add3A_139 = arith.addf %add3A_126, %mul3A_138 : vector<16xf32>
        %broadcast_in_dim3A = vector.shape_cast %xor3A_4 : vector<16xi32> to vector<16x1xi32>
        %gather3A = vector.shape_cast %broadcast_in_dim3A : vector<16x1xi32> to vector<16xi32>
        %gather3A_140 = tpu.dynamic_gather %add3A_139[%gather3A] in [0] : vector<16xf32>, vector<16xi32> -> vector<16xf32>
        %add3A_141 = arith.addf %add3A_139, %gather3A_140 : vector<16xf32>
        %broadcast_in_dim3A_142 = vector.shape_cast %xor3A_7 : vector<16xi32> to vector<16x1xi32>
        %gather3A_143 = vector.shape_cast %broadcast_in_dim3A_142 : vector<16x1xi32> to vector<16xi32>
        %gather3A_144 = tpu.dynamic_gather %add3A_141[%gather3A_143] in [0] : vector<16xf32>, vector<16xi32> -> vector<16xf32>
        %add3A_145 = arith.addf %add3A_141, %gather3A_144 : vector<16xf32>
        %broadcast_in_dim3A_146 = vector.shape_cast %xor3A_10 : vector<16xi32> to vector<16x1xi32>
        %gather3A_147 = vector.shape_cast %broadcast_in_dim3A_146 : vector<16x1xi32> to vector<16xi32>
        %gather3A_148 = tpu.dynamic_gather %add3A_145[%gather3A_147] in [0] : vector<16xf32>, vector<16xi32> -> vector<16xf32>
        %add3A_149 = arith.addf %add3A_145, %gather3A_148 : vector<16xf32>
        %broadcast_in_dim3A_150 = vector.shape_cast %xor3A_13 : vector<16xi32> to vector<16x1xi32>
        %gather3A_151 = vector.shape_cast %broadcast_in_dim3A_150 : vector<16x1xi32> to vector<16xi32>
        %gather3A_152 = tpu.dynamic_gather %add3A_149[%gather3A_151] in [0] : vector<16xf32>, vector<16xi32> -> vector<16xf32>
        %add3A_153 = arith.addf %add3A_149, %gather3A_152 : vector<16xf32>
        %max3A = arith.constant 1.000000e-24 : f32
        %max3A_154 = vector.broadcast %max3A : f32 to vector<16xf32>
        %max3A_155 = arith.maximumf %add3A_153, %max3A_154 : vector<16xf32>
        %bitcast_convert_type3A = tpu.bitcast %max3A_155 : vector<16xf32> -> vector<16xi32>
        %shift_right_arithmetic3A_156 = arith.constant 1 : i32
        %shift_right_arithmetic3A_157 = vector.broadcast %shift_right_arithmetic3A_156 : i32 to vector<16xi32>
        %shift_right_arithmetic3A_158 = arith.shrsi %bitcast_convert_type3A, %shift_right_arithmetic3A_157 : vector<16xi32>
        %sub3A = arith.constant 1597463007 : i32
        %sub3A_159 = vector.broadcast %sub3A : i32 to vector<16xi32>
        %sub3A_160 = arith.subi %sub3A_159, %shift_right_arithmetic3A_158 : vector<16xi32>
        %bitcast_convert_type3A_161 = tpu.bitcast %sub3A_160 : vector<16xi32> -> vector<16xf32>
        %mul3A_162 = arith.constant 5.000000e-01 : f32
        %mul3A_163 = vector.broadcast %mul3A_162 : f32 to vector<16xf32>
        %mul3A_164 = arith.mulf %mul3A_163, %max3A_155 : vector<16xf32>
        %mul3A_165 = arith.mulf %mul3A_164, %bitcast_convert_type3A_161 : vector<16xf32>
        %mul3A_166 = arith.mulf %mul3A_165, %bitcast_convert_type3A_161 : vector<16xf32>
        %sub3A_167 = arith.constant 1.500000e+00 : f32
        %sub3A_168 = vector.broadcast %sub3A_167 : f32 to vector<16xf32>
        %sub3A_169 = arith.subf %sub3A_168, %mul3A_166 : vector<16xf32>
        %mul3A_170 = arith.mulf %bitcast_convert_type3A_161, %sub3A_169 : vector<16xf32>
        %mul3A_171 = arith.constant 5.000000e-01 : f32
        %mul3A_172 = vector.broadcast %mul3A_171 : f32 to vector<16xf32>
        %mul3A_173 = arith.mulf %mul3A_172, %max3A_155 : vector<16xf32>
        %mul3A_174 = arith.mulf %mul3A_173, %mul3A_170 : vector<16xf32>
        %mul3A_175 = arith.mulf %mul3A_174, %mul3A_170 : vector<16xf32>
        %sub3A_176 = arith.constant 1.500000e+00 : f32
        %sub3A_177 = vector.broadcast %sub3A_176 : f32 to vector<16xf32>
        %sub3A_178 = arith.subf %sub3A_177, %mul3A_175 : vector<16xf32>
        %mul3A_179 = arith.mulf %mul3A_170, %sub3A_178 : vector<16xf32>
        %mul3A_180 = arith.constant 5.000000e-01 : f32
        %mul3A_181 = vector.broadcast %mul3A_180 : f32 to vector<16xf32>
        %mul3A_182 = arith.mulf %mul3A_181, %max3A_155 : vector<16xf32>
        %mul3A_183 = arith.mulf %mul3A_182, %mul3A_179 : vector<16xf32>
        %mul3A_184 = arith.mulf %mul3A_183, %mul3A_179 : vector<16xf32>
        %sub3A_185 = arith.constant 1.500000e+00 : f32
        %sub3A_186 = vector.broadcast %sub3A_185 : f32 to vector<16xf32>
        %sub3A_187 = arith.subf %sub3A_186, %mul3A_184 : vector<16xf32>
        %mul3A_188 = arith.mulf %mul3A_179, %sub3A_187 : vector<16xf32>
        %mul3A_189 = arith.mulf %add3A_99, %mul3A_188 : vector<16xf32>
        %swap3A = arith.index_cast %scan3A_78 : i32 to index
        %swap3A_190 = arith.constant 0 : index
        %swap3A_191 = tpu.vector_load %arg12[%swap3A, %swap3A_190] {strides = array<i32>} : memref<64x64xf32, #tpu.memory_space<vmem>>, vector<1x16xf32>,
        %swap3A_192 = vector.shape_cast %swap3A_191 : vector<1x16xf32> to vector<16xf32>
        %swap3A_193 = vector.shape_cast %mul3A_189 : vector<16xf32> to vector<1x16xf32>
        tpu.vector_store %arg12[%swap3A, %swap3A_190], %swap3A_193 {strides = array<i32>} : memref<64x64xf32, #tpu.memory_space<vmem>>, vector<1x16xf32>,
        %mul3A_194 = arith.mulf %add3A_111, %mul3A_188 : vector<16xf32>
        %swap3A_195 = arith.index_cast %scan3A_78 : i32 to index
        %swap3A_196 = arith.constant 16 : index
        %swap3A_197 = tpu.vector_load %arg12[%swap3A_195, %swap3A_196] {strides = array<i32>} : memref<64x64xf32, #tpu.memory_space<vmem>>, vector<1x16xf32>,
        %swap3A_198 = vector.shape_cast %swap3A_197 : vector<1x16xf32> to vector<16xf32>
        %swap3A_199 = vector.shape_cast %mul3A_194 : vector<16xf32> to vector<1x16xf32>
        tpu.vector_store %arg12[%swap3A_195, %swap3A_196], %swap3A_199 {strides = array<i32>} : memref<64x64xf32, #tpu.memory_space<vmem>>, vector<1x16xf32>,
        %mul3A_200 = arith.mulf %add3A_124, %mul3A_188 : vector<16xf32>
        %swap3A_201 = arith.index_cast %scan3A_78 : i32 to index
        %swap3A_202 = arith.constant 32 : index
        %swap3A_203 = tpu.vector_load %arg12[%swap3A_201, %swap3A_202] {strides = array<i32>} : memref<64x64xf32, #tpu.memory_space<vmem>>, vector<1x16xf32>,
        %swap3A_204 = vector.shape_cast %swap3A_203 : vector<1x16xf32> to vector<16xf32>
        %swap3A_205 = vector.shape_cast %mul3A_200 : vector<16xf32> to vector<1x16xf32>
        tpu.vector_store %arg12[%swap3A_201, %swap3A_202], %swap3A_205 {strides = array<i32>} : memref<64x64xf32, #tpu.memory_space<vmem>>, vector<1x16xf32>,
        %mul3A_206 = arith.mulf %add3A_137, %mul3A_188 : vector<16xf32>
        %swap3A_207 = arith.index_cast %scan3A_78 : i32 to index
        %swap3A_208 = arith.constant 48 : index
        %swap3A_209 = tpu.vector_load %arg12[%swap3A_207, %swap3A_208] {strides = array<i32>} : memref<64x64xf32, #tpu.memory_space<vmem>>, vector<1x16xf32>,
        %swap3A_210 = vector.shape_cast %swap3A_209 : vector<1x16xf32> to vector<16xf32>
        %swap3A_211 = vector.shape_cast %mul3A_206 : vector<16xf32> to vector<1x16xf32>
        tpu.vector_store %arg12[%swap3A_207, %swap3A_208], %swap3A_211 {strides = array<i32>} : memref<64x64xf32, #tpu.memory_space<vmem>>, vector<1x16xf32>,
        %scan3A_212 = arith.constant 0 : i32
        scf.yield %scan3A_212 : i32
      }
      %scan3A_51 = arith.constant 64 : i32
      %mul3A_52 = arith.constant 64 : i32
      %mul3A_53 = arith.muli %mul3A_30, %mul3A_52 : i32
      %add3A_54 = arith.addi %mul3A_2, %mul3A_53 : i32
      "tpu.region"() ({
        %run_scoped3A = tpu.sem_alloc : memref<!tpu.dma_semaphore, #tpu.memory_space<semaphore_mem>>
        %dma_start3A = arith.constant 0 : i32
        %dma_start3A_78 = tpu.memref_slice %arg6[%add3A_54, %dma_start3A] : memref<16384x64xf32, #tpu.memory_space<hbm>> -> memref<64x64xf32, #tpu.memory_space<hbm>>
        %dma_start3A_79 = arith.constant 0 : i32
        %dma_start3A_80 = tpu.memref_slice %arg6[%add3A_54, %dma_start3A_79] : memref<16384x64xf32, #tpu.memory_space<hbm>> -> memref<64x64xf32, #tpu.memory_space<hbm>>
        tpu.enqueue_dma source(%arg12 : memref<64x64xf32, #tpu.memory_space<vmem>>) target(%dma_start3A_80 : memref<64x64xf32, #tpu.memory_space<hbm>>) target_semaphore(%run_scoped3A : memref<!tpu.dma_semaphore, #tpu.memory_space<semaphore_mem>>)
        %dma_wait3A_81 = arith.constant 0 : i32
        %dma_wait3A_82 = tpu.memref_slice %arg6[%add3A_54, %dma_wait3A_81] : memref<16384x64xf32, #tpu.memory_space<hbm>> -> memref<64x64xf32, #tpu.memory_space<hbm>>
        %dma_wait3A_83 = arith.constant 0 : i32
        %dma_wait3A_84 = tpu.memref_slice %arg6[%add3A_54, %dma_wait3A_83] : memref<16384x64xf32, #tpu.memory_space<hbm>> -> memref<64x64xf32, #tpu.memory_space<hbm>>
        tpu.wait_dma2 semaphore(%run_scoped3A : memref<!tpu.dma_semaphore, #tpu.memory_space<semaphore_mem>>) src(%arg12 : memref<64x64xf32, #tpu.memory_space<vmem>>) dst(%dma_wait3A_84 : memref<64x64xf32, #tpu.memory_space<hbm>>)
        tpu.yield
      }) : () -> ()
      %add3A_55 = arith.constant 1 : i32
      %add3A_56 = arith.addi %scan3A_27, %add3A_55 : i32
      %lt3A = arith.constant 4 : i32
      %lt3A_57 = arith.cmpi slt, %add3A_56, %lt3A : i32
      %convert_element_type3A = arith.extui %lt3A_57 : i1 to i32
      %cond3A = arith.constant 0 : i32
      %cond3A_58 = arith.cmpi ne, %convert_element_type3A, %cond3A : i32
      scf.if %cond3A_58 {
        %add3A_78 = arith.constant 2 : i32
        %add3A_79 = arith.addi %mul3A_30, %add3A_78 : i32
        %scan3A_80 = arith.constant 0 : i32
        %scan3A_81 = arith.constant 0 : i32
        %scan3A_82 = arith.constant 64 : i32
        %scan3A_83 = arith.addi %scan3A_81, %scan3A_82 : i32
        %scan3A_84 = arith.constant 1 : i32
        %scan3A_85 = scf.for %scan3A_87 = %scan3A_81 to %scan3A_83 step %scan3A_84 iter_args(%scan3A_88 = %scan3A_80) -> (i32)  : i32 {
          %mul3A_89 = arith.constant 64 : i32
          %mul3A_90 = arith.muli %add3A_79, %mul3A_89 : i32
          %add3A_91 = arith.addi %mul3A_90, %scan3A_87 : i32
          %get3A = arith.index_cast %add3A_91 : i32 to index
          %get3A_92 = tpu.vector_load %arg7[%get3A] {strides = array<i32>} : memref<528xi32, #tpu.memory_space<vmem>>, vector<16xi32>,
          %get3A_93 = vector.shape_cast %get3A_92 : vector<16xi32> to vector<16xi32>
          %slice3A = vector.extract_strided_slice %get3A_93 {offsets = [0], sizes = [1], strides = [1]} : vector<16xi32> to vector<1xi32>
          %squeeze3A = vector.extract %slice3A[0] : i32 from vector<1xi32>
          %dma_start3A = arith.constant 0 : i32
          %dma_start3A_94 = tpu.memref_slice %arg10[%scan3A_87, %dma_start3A] : memref<64x64xf32, #tpu.memory_space<vmem>> -> memref<1x64xf32, #tpu.memory_space<vmem>>
          %dma_start3A_95 = arith.constant 0 : i32
          %dma_start3A_96 = tpu.memref_slice %arg4[%squeeze3A, %dma_start3A_95] : memref<1000000x64xf32, #tpu.memory_space<hbm>> -> memref<1x64xf32, #tpu.memory_space<hbm>>
          %dma_start3A_97 = arith.constant 0 : i32
          %dma_start3A_98 = tpu.memref_slice %arg10[%scan3A_87, %dma_start3A_97] : memref<64x64xf32, #tpu.memory_space<vmem>> -> memref<1x64xf32, #tpu.memory_space<vmem>>
          %dma_start3A_99 = arith.constant 0 : i32
          %dma_start3A_100 = tpu.memref_slice %arg4[%squeeze3A, %dma_start3A_99] : memref<1000000x64xf32, #tpu.memory_space<hbm>> -> memref<1x64xf32, #tpu.memory_space<hbm>>
          tpu.enqueue_dma source(%dma_start3A_100 : memref<1x64xf32, #tpu.memory_space<hbm>>) target(%dma_start3A_98 : memref<1x64xf32, #tpu.memory_space<vmem>>) target_semaphore(%arg13 : memref<!tpu.dma_semaphore, #tpu.memory_space<semaphore_mem>>)
          %scan3A_101 = arith.constant 0 : i32
          scf.yield %scan3A_101 : i32
        }
        %scan3A_86 = arith.constant 64 : i32
      } else {
      }
      %dma_wait3A_59 = arith.constant 0 : i32
      %dma_wait3A_60 = arith.constant 0 : i32
      %dma_wait3A_61 = tpu.memref_slice %arg6[%dma_wait3A_59, %dma_wait3A_60] : memref<16384x64xf32, #tpu.memory_space<hbm>> -> memref<64x64xf32, #tpu.memory_space<hbm>>
      %dma_wait3A_62 = arith.constant 0 : i32
      %dma_wait3A_63 = arith.constant 0 : i32
      %dma_wait3A_64 = tpu.memref_slice %arg6[%dma_wait3A_62, %dma_wait3A_63] : memref<16384x64xf32, #tpu.memory_space<hbm>> -> memref<64x64xf32, #tpu.memory_space<hbm>>
      tpu.wait_dma2 semaphore(%arg14 : memref<!tpu.dma_semaphore, #tpu.memory_space<semaphore_mem>>) src(%dma_wait3A_64 : memref<64x64xf32, #tpu.memory_space<hbm>>) dst(%arg11 : memref<64x64xf32, #tpu.memory_space<vmem>>)
      %add3A_65 = arith.constant 1 : i32
      %add3A_66 = arith.addi %mul3A_30, %add3A_65 : i32
      %scan3A_67 = arith.constant 0 : i32
      %scan3A_68 = arith.constant 0 : i32
      %scan3A_69 = arith.constant 64 : i32
      %scan3A_70 = arith.addi %scan3A_68, %scan3A_69 : i32
      %scan3A_71 = arith.constant 1 : i32
      %scan3A_72 = scf.for %scan3A_78 = %scan3A_68 to %scan3A_70 step %scan3A_71 iter_args(%scan3A_79 = %scan3A_67) -> (i32)  : i32 {
        %mul3A_80 = arith.constant 64 : i32
        %mul3A_81 = arith.muli %add3A_66, %mul3A_80 : i32
        %add3A_82 = arith.addi %mul3A_81, %scan3A_78 : i32
        %get3A = arith.index_cast %add3A_82 : i32 to index
        %get3A_83 = tpu.vector_load %arg8[%get3A] {strides = array<i32>} : memref<528xi32, #tpu.memory_space<vmem>>, vector<16xi32>,
        %get3A_84 = vector.shape_cast %get3A_83 : vector<16xi32> to vector<16xi32>
        %slice3A = vector.extract_strided_slice %get3A_84 {offsets = [0], sizes = [1], strides = [1]} : vector<16xi32> to vector<1xi32>
        %squeeze3A = vector.extract %slice3A[0] : i32 from vector<1xi32>
        %shift_right_arithmetic3A = arith.constant 1 : i32
        %shift_right_arithmetic3A_85 = arith.shrsi %squeeze3A, %shift_right_arithmetic3A : i32
        %and3A = arith.constant 1 : i32
        %and3A_86 = arith.andi %squeeze3A, %and3A : i32
        %mul3A_87 = arith.constant 64 : i32
        %mul3A_88 = arith.muli %and3A_86, %mul3A_87 : i32
        %get3A_89 = arith.index_cast %scan3A_78 : i32 to index
        %get3A_90 = arith.constant 0 : index
        %get3A_91 = tpu.vector_load %arg11[%get3A_89, %get3A_90] {strides = array<i32>} : memref<64x64xf32, #tpu.memory_space<vmem>>, vector<1x16xf32>,
        %get3A_92 = vector.shape_cast %get3A_91 : vector<1x16xf32> to vector<16xf32>
        %add3A_93 = arith.constant 0 : i32
        %add3A_94 = arith.addi %mul3A_88, %add3A_93 : i32
        %get3A_95 = arith.index_cast %shift_right_arithmetic3A_85 : i32 to index
        %get3A_96 = arith.index_cast %add3A_94 : i32 to index
        %get3A_97 = tpu.vector_load %arg9[%get3A_95, %get3A_96] {strides = array<i32>} : memref<500x128xf32, #tpu.memory_space<vmem>>, vector<1x16xf32>,
        %get3A_98 = vector.shape_cast %get3A_97 : vector<1x16xf32> to vector<16xf32>
        %add3A_99 = arith.addf %get3A_92, %get3A_98 : vector<16xf32>
        %mul3A_100 = arith.mulf %add3A_99, %add3A_99 : vector<16xf32>
        %get3A_101 = arith.index_cast %scan3A_78 : i32 to index
        %get3A_102 = arith.constant 16 : index
        %get3A_103 = tpu.vector_load %arg11[%get3A_101, %get3A_102] {strides = array<i32>} : memref<64x64xf32, #tpu.memory_space<vmem>>, vector<1x16xf32>,
        %get3A_104 = vector.shape_cast %get3A_103 : vector<1x16xf32> to vector<16xf32>
        %add3A_105 = arith.constant 16 : i32
        %add3A_106 = arith.addi %mul3A_88, %add3A_105 : i32
        %get3A_107 = arith.index_cast %shift_right_arithmetic3A_85 : i32 to index
        %get3A_108 = arith.index_cast %add3A_106 : i32 to index
        %get3A_109 = tpu.vector_load %arg9[%get3A_107, %get3A_108] {strides = array<i32>} : memref<500x128xf32, #tpu.memory_space<vmem>>, vector<1x16xf32>,
        %get3A_110 = vector.shape_cast %get3A_109 : vector<1x16xf32> to vector<16xf32>
        %add3A_111 = arith.addf %get3A_104, %get3A_110 : vector<16xf32>
        %mul3A_112 = arith.mulf %add3A_111, %add3A_111 : vector<16xf32>
        %add3A_113 = arith.addf %mul3A_100, %mul3A_112 : vector<16xf32>
        %get3A_114 = arith.index_cast %scan3A_78 : i32 to index
        %get3A_115 = arith.constant 32 : index
        %get3A_116 = tpu.vector_load %arg11[%get3A_114, %get3A_115] {strides = array<i32>} : memref<64x64xf32, #tpu.memory_space<vmem>>, vector<1x16xf32>,
        %get3A_117 = vector.shape_cast %get3A_116 : vector<1x16xf32> to vector<16xf32>
        %add3A_118 = arith.constant 32 : i32
        %add3A_119 = arith.addi %mul3A_88, %add3A_118 : i32
        %get3A_120 = arith.index_cast %shift_right_arithmetic3A_85 : i32 to index
        %get3A_121 = arith.index_cast %add3A_119 : i32 to index
        %get3A_122 = tpu.vector_load %arg9[%get3A_120, %get3A_121] {strides = array<i32>} : memref<500x128xf32, #tpu.memory_space<vmem>>, vector<1x16xf32>,
        %get3A_123 = vector.shape_cast %get3A_122 : vector<1x16xf32> to vector<16xf32>
        %add3A_124 = arith.addf %get3A_117, %get3A_123 : vector<16xf32>
        %mul3A_125 = arith.mulf %add3A_124, %add3A_124 : vector<16xf32>
        %add3A_126 = arith.addf %add3A_113, %mul3A_125 : vector<16xf32>
        %get3A_127 = arith.index_cast %scan3A_78 : i32 to index
        %get3A_128 = arith.constant 48 : index
        %get3A_129 = tpu.vector_load %arg11[%get3A_127, %get3A_128] {strides = array<i32>} : memref<64x64xf32, #tpu.memory_space<vmem>>, vector<1x16xf32>,
        %get3A_130 = vector.shape_cast %get3A_129 : vector<1x16xf32> to vector<16xf32>
        %add3A_131 = arith.constant 48 : i32
        %add3A_132 = arith.addi %mul3A_88, %add3A_131 : i32
        %get3A_133 = arith.index_cast %shift_right_arithmetic3A_85 : i32 to index
        %get3A_134 = arith.index_cast %add3A_132 : i32 to index
        %get3A_135 = tpu.vector_load %arg9[%get3A_133, %get3A_134] {strides = array<i32>} : memref<500x128xf32, #tpu.memory_space<vmem>>, vector<1x16xf32>,
        %get3A_136 = vector.shape_cast %get3A_135 : vector<1x16xf32> to vector<16xf32>
        %add3A_137 = arith.addf %get3A_130, %get3A_136 : vector<16xf32>
        %mul3A_138 = arith.mulf %add3A_137, %add3A_137 : vector<16xf32>
        %add3A_139 = arith.addf %add3A_126, %mul3A_138 : vector<16xf32>
        %broadcast_in_dim3A = vector.shape_cast %xor3A_4 : vector<16xi32> to vector<16x1xi32>
        %gather3A = vector.shape_cast %broadcast_in_dim3A : vector<16x1xi32> to vector<16xi32>
        %gather3A_140 = tpu.dynamic_gather %add3A_139[%gather3A] in [0] : vector<16xf32>, vector<16xi32> -> vector<16xf32>
        %add3A_141 = arith.addf %add3A_139, %gather3A_140 : vector<16xf32>
        %broadcast_in_dim3A_142 = vector.shape_cast %xor3A_7 : vector<16xi32> to vector<16x1xi32>
        %gather3A_143 = vector.shape_cast %broadcast_in_dim3A_142 : vector<16x1xi32> to vector<16xi32>
        %gather3A_144 = tpu.dynamic_gather %add3A_141[%gather3A_143] in [0] : vector<16xf32>, vector<16xi32> -> vector<16xf32>
        %add3A_145 = arith.addf %add3A_141, %gather3A_144 : vector<16xf32>
        %broadcast_in_dim3A_146 = vector.shape_cast %xor3A_10 : vector<16xi32> to vector<16x1xi32>
        %gather3A_147 = vector.shape_cast %broadcast_in_dim3A_146 : vector<16x1xi32> to vector<16xi32>
        %gather3A_148 = tpu.dynamic_gather %add3A_145[%gather3A_147] in [0] : vector<16xf32>, vector<16xi32> -> vector<16xf32>
        %add3A_149 = arith.addf %add3A_145, %gather3A_148 : vector<16xf32>
        %broadcast_in_dim3A_150 = vector.shape_cast %xor3A_13 : vector<16xi32> to vector<16x1xi32>
        %gather3A_151 = vector.shape_cast %broadcast_in_dim3A_150 : vector<16x1xi32> to vector<16xi32>
        %gather3A_152 = tpu.dynamic_gather %add3A_149[%gather3A_151] in [0] : vector<16xf32>, vector<16xi32> -> vector<16xf32>
        %add3A_153 = arith.addf %add3A_149, %gather3A_152 : vector<16xf32>
        %max3A = arith.constant 1.000000e-24 : f32
        %max3A_154 = vector.broadcast %max3A : f32 to vector<16xf32>
        %max3A_155 = arith.maximumf %add3A_153, %max3A_154 : vector<16xf32>
        %bitcast_convert_type3A = tpu.bitcast %max3A_155 : vector<16xf32> -> vector<16xi32>
        %shift_right_arithmetic3A_156 = arith.constant 1 : i32
        %shift_right_arithmetic3A_157 = vector.broadcast %shift_right_arithmetic3A_156 : i32 to vector<16xi32>
        %shift_right_arithmetic3A_158 = arith.shrsi %bitcast_convert_type3A, %shift_right_arithmetic3A_157 : vector<16xi32>
        %sub3A = arith.constant 1597463007 : i32
        %sub3A_159 = vector.broadcast %sub3A : i32 to vector<16xi32>
        %sub3A_160 = arith.subi %sub3A_159, %shift_right_arithmetic3A_158 : vector<16xi32>
        %bitcast_convert_type3A_161 = tpu.bitcast %sub3A_160 : vector<16xi32> -> vector<16xf32>
        %mul3A_162 = arith.constant 5.000000e-01 : f32
        %mul3A_163 = vector.broadcast %mul3A_162 : f32 to vector<16xf32>
        %mul3A_164 = arith.mulf %mul3A_163, %max3A_155 : vector<16xf32>
        %mul3A_165 = arith.mulf %mul3A_164, %bitcast_convert_type3A_161 : vector<16xf32>
        %mul3A_166 = arith.mulf %mul3A_165, %bitcast_convert_type3A_161 : vector<16xf32>
        %sub3A_167 = arith.constant 1.500000e+00 : f32
        %sub3A_168 = vector.broadcast %sub3A_167 : f32 to vector<16xf32>
        %sub3A_169 = arith.subf %sub3A_168, %mul3A_166 : vector<16xf32>
        %mul3A_170 = arith.mulf %bitcast_convert_type3A_161, %sub3A_169 : vector<16xf32>
        %mul3A_171 = arith.constant 5.000000e-01 : f32
        %mul3A_172 = vector.broadcast %mul3A_171 : f32 to vector<16xf32>
        %mul3A_173 = arith.mulf %mul3A_172, %max3A_155 : vector<16xf32>
        %mul3A_174 = arith.mulf %mul3A_173, %mul3A_170 : vector<16xf32>
        %mul3A_175 = arith.mulf %mul3A_174, %mul3A_170 : vector<16xf32>
        %sub3A_176 = arith.constant 1.500000e+00 : f32
        %sub3A_177 = vector.broadcast %sub3A_176 : f32 to vector<16xf32>
        %sub3A_178 = arith.subf %sub3A_177, %mul3A_175 : vector<16xf32>
        %mul3A_179 = arith.mulf %mul3A_170, %sub3A_178 : vector<16xf32>
        %mul3A_180 = arith.constant 5.000000e-01 : f32
        %mul3A_181 = vector.broadcast %mul3A_180 : f32 to vector<16xf32>
        %mul3A_182 = arith.mulf %mul3A_181, %max3A_155 : vector<16xf32>
        %mul3A_183 = arith.mulf %mul3A_182, %mul3A_179 : vector<16xf32>
        %mul3A_184 = arith.mulf %mul3A_183, %mul3A_179 : vector<16xf32>
        %sub3A_185 = arith.constant 1.500000e+00 : f32
        %sub3A_186 = vector.broadcast %sub3A_185 : f32 to vector<16xf32>
        %sub3A_187 = arith.subf %sub3A_186, %mul3A_184 : vector<16xf32>
        %mul3A_188 = arith.mulf %mul3A_179, %sub3A_187 : vector<16xf32>
        %mul3A_189 = arith.mulf %add3A_99, %mul3A_188 : vector<16xf32>
        %swap3A = arith.index_cast %scan3A_78 : i32 to index
        %swap3A_190 = arith.constant 0 : index
        %swap3A_191 = tpu.vector_load %arg12[%swap3A, %swap3A_190] {strides = array<i32>} : memref<64x64xf32, #tpu.memory_space<vmem>>, vector<1x16xf32>,
        %swap3A_192 = vector.shape_cast %swap3A_191 : vector<1x16xf32> to vector<16xf32>
        %swap3A_193 = vector.shape_cast %mul3A_189 : vector<16xf32> to vector<1x16xf32>
        tpu.vector_store %arg12[%swap3A, %swap3A_190], %swap3A_193 {strides = array<i32>} : memref<64x64xf32, #tpu.memory_space<vmem>>, vector<1x16xf32>,
        %mul3A_194 = arith.mulf %add3A_111, %mul3A_188 : vector<16xf32>
        %swap3A_195 = arith.index_cast %scan3A_78 : i32 to index
        %swap3A_196 = arith.constant 16 : index
        %swap3A_197 = tpu.vector_load %arg12[%swap3A_195, %swap3A_196] {strides = array<i32>} : memref<64x64xf32, #tpu.memory_space<vmem>>, vector<1x16xf32>,
        %swap3A_198 = vector.shape_cast %swap3A_197 : vector<1x16xf32> to vector<16xf32>
        %swap3A_199 = vector.shape_cast %mul3A_194 : vector<16xf32> to vector<1x16xf32>
        tpu.vector_store %arg12[%swap3A_195, %swap3A_196], %swap3A_199 {strides = array<i32>} : memref<64x64xf32, #tpu.memory_space<vmem>>, vector<1x16xf32>,
        %mul3A_200 = arith.mulf %add3A_124, %mul3A_188 : vector<16xf32>
        %swap3A_201 = arith.index_cast %scan3A_78 : i32 to index
        %swap3A_202 = arith.constant 32 : index
        %swap3A_203 = tpu.vector_load %arg12[%swap3A_201, %swap3A_202] {strides = array<i32>} : memref<64x64xf32, #tpu.memory_space<vmem>>, vector<1x16xf32>,
        %swap3A_204 = vector.shape_cast %swap3A_203 : vector<1x16xf32> to vector<16xf32>
        %swap3A_205 = vector.shape_cast %mul3A_200 : vector<16xf32> to vector<1x16xf32>
        tpu.vector_store %arg12[%swap3A_201, %swap3A_202], %swap3A_205 {strides = array<i32>} : memref<64x64xf32, #tpu.memory_space<vmem>>, vector<1x16xf32>,
        %mul3A_206 = arith.mulf %add3A_137, %mul3A_188 : vector<16xf32>
        %swap3A_207 = arith.index_cast %scan3A_78 : i32 to index
        %swap3A_208 = arith.constant 48 : index
        %swap3A_209 = tpu.vector_load %arg12[%swap3A_207, %swap3A_208] {strides = array<i32>} : memref<64x64xf32, #tpu.memory_space<vmem>>, vector<1x16xf32>,
        %swap3A_210 = vector.shape_cast %swap3A_209 : vector<1x16xf32> to vector<16xf32>
        %swap3A_211 = vector.shape_cast %mul3A_206 : vector<16xf32> to vector<1x16xf32>
        tpu.vector_store %arg12[%swap3A_207, %swap3A_208], %swap3A_211 {strides = array<i32>} : memref<64x64xf32, #tpu.memory_space<vmem>>, vector<1x16xf32>,
        %scan3A_212 = arith.constant 0 : i32
        scf.yield %scan3A_212 : i32
      }
      %scan3A_73 = arith.constant 64 : i32
      %mul3A_74 = arith.constant 64 : i32
      %mul3A_75 = arith.muli %add3A_66, %mul3A_74 : i32
      %add3A_76 = arith.addi %mul3A_2, %mul3A_75 : i32
      "tpu.region"() ({
        %run_scoped3A = tpu.sem_alloc : memref<!tpu.dma_semaphore, #tpu.memory_space<semaphore_mem>>
        %dma_start3A = arith.constant 0 : i32
        %dma_start3A_78 = tpu.memref_slice %arg6[%add3A_76, %dma_start3A] : memref<16384x64xf32, #tpu.memory_space<hbm>> -> memref<64x64xf32, #tpu.memory_space<hbm>>
        %dma_start3A_79 = arith.constant 0 : i32
        %dma_start3A_80 = tpu.memref_slice %arg6[%add3A_76, %dma_start3A_79] : memref<16384x64xf32, #tpu.memory_space<hbm>> -> memref<64x64xf32, #tpu.memory_space<hbm>>
        tpu.enqueue_dma source(%arg12 : memref<64x64xf32, #tpu.memory_space<vmem>>) target(%dma_start3A_80 : memref<64x64xf32, #tpu.memory_space<hbm>>) target_semaphore(%run_scoped3A : memref<!tpu.dma_semaphore, #tpu.memory_space<semaphore_mem>>)
        %dma_wait3A_81 = arith.constant 0 : i32
        %dma_wait3A_82 = tpu.memref_slice %arg6[%add3A_76, %dma_wait3A_81] : memref<16384x64xf32, #tpu.memory_space<hbm>> -> memref<64x64xf32, #tpu.memory_space<hbm>>
        %dma_wait3A_83 = arith.constant 0 : i32
        %dma_wait3A_84 = tpu.memref_slice %arg6[%add3A_76, %dma_wait3A_83] : memref<16384x64xf32, #tpu.memory_space<hbm>> -> memref<64x64xf32, #tpu.memory_space<hbm>>
        tpu.wait_dma2 semaphore(%run_scoped3A : memref<!tpu.dma_semaphore, #tpu.memory_space<semaphore_mem>>) src(%arg12 : memref<64x64xf32, #tpu.memory_space<vmem>>) dst(%dma_wait3A_84 : memref<64x64xf32, #tpu.memory_space<hbm>>)
        tpu.yield
      }) : () -> ()
      %scan3A_77 = arith.constant 0 : i32
      scf.yield %scan3A_77 : i32
    }
    %scan3A_26 = arith.constant 4 : i32
    return
  }
}

</mosaic_0001>

<sc_bundles>
// kernel: _run.3.cloned.1.call-start
scs
__scs_entry_jumppad:
0x0: {  	(pc) =	sbr.rel $0x88, $3  }
0x1: {  	(tag) =	ssettag $0x0;
	lr =	simm.s32 $0x1  }
0x2: {  	[smem:$0x3F9D] =	sst lr;
	_ =	strace $0xD0000000  }
0x3: {  	_ = 	snop  }
0x4: {  	_ = 	snop  }
0x5: {  	_ = 	snop  }
0x6: {  	_ = 	snop  }
0x7: {  	_ = 	snop  }
__scs_overlays_trampoline_lowered:
0x8: {  	[smem:$0x3FAC] =	sst s0  }
0x9: {  	[smem:$0x3FAD] =	sst s1  }
0xa: {  	[smem:$0x3FAE] =	sst s2  }
0xb: {  	[smem:$0x3FAF] =	sst s3  }
0xc: {  	[smem:$0x3FB0] =	sst s4  }
0xd: {  	[smem:$0x3FB1] =	sst s5  }
0xe: {  	[smem:$0x3FB2] =	sst s6  }
0xf: {  	[smem:$0x3FB3] =	sst s7  }
0x10: {  	[smem:$0x3FB4] =	sst s8  }
0x11: {  	[smem:$0x3FB5] =	sst s9;
	s0 =	simm.s32 @!p0 $0x0  }
0x12: {  	s1 =	sld [smem:$0x3F9B];
	s0 =	simm.s32 @p0 $0x1  }
0x13: {  	[smem:$0x3FB6] =	sst s0;
	s0 =	simm.s32 @!p1 $0x0  }
0x14: {  	s2 =	sld [smem:$0x3F9A];
	s0 =	simm.s32 @p1 $0x1  }
0x15: {  	[smem:$0x3FB7] =	sst s0;
	s0 =	simm.s32 @!p2 $0x0  }
0x16: {  	s3 =	sld [smem:$0x3FDB];
	s0 =	simm.s32 @p2 $0x1  }
0x17: {  	s4 =	simm.s32 $0x1BF5;
	[smem:$0x3FB9] =	sst s0  }
0x18: {  	s0 =	sld [smem:$0x3F9C];
	_ =	swait.ge [sflag:s4], $0x0  }
0x19: {  	s7 =	sld [smem:$0x3F9D]  }
0x1a: {  	s8 =	sadd.s32 $0xFFFFE003, lr  }
0x1b: {  	s9 =	sadd.s32 $0xFFFFFEF7, lr;
	s5 =	simm.s32 $0xFFFFFFFF;
	p2 =	slt.u32 s8, $0xFFFFF086  }
0x1c: {  	p1 =	slt.u32 s9, $0xF7A;
	s5 =	simm.s32 @!p2 $0x0  }
0x1d: {  	s5 =	simm.s32 @p1 $0x1;
	p0 =	seq.s32 s7, s2  }
0x1e: {  	s7 =	smul.u32 @!p0 $0xF7A, s2;
	p2 =	seq.s32 @!p0 s5, $0x0  }
0x1f: {  	s9 =	smul.u32 $0xF7A, s1;
	s8 =	simm.s32 @!p0 $0x1BF5;
	p2 =	por !p2, p0  }
0x20: {  	[sflag:s8] =	ssyncset.s32 @!p0 $0xFFFFF086;
	s6 =	sadd.s32 @!p0 s3, s7;
	s7 =	simm.s32 @!p0 $0x108  }
0x21: {  	s3 =	sadd.s32 s3, s9;
	s6 =	sadd.s32 @!p0 $0x88, s6;
	s7 =	simm.s32 @p2 $0x1082  }
0x22: {  	[simem:s7], [sflag:s8] =	dma.local @!p0 [hbm:s6], $0xF7A  }
0x23: {  	s9 =	sor.u32 $0xD0000000, s2;
	s6 =	simm.s32 $0x108;
	_ =	swait.ge @!p0 [sflag:s8], $0x0  }
0x24: {  	s3 =	sadd.s32 $0x88, s3;
	s6 =	simm.s32 @!p1 $0x1082;
	[sflag:s4] =	ssyncset.s32 $0xFFFFF086  }
0x25: {  	[simem:s6], [sflag:s4] =	dma.local [hbm:s3], $0xF7A  }
0x26: {  	[smem:$0x3F9D] =	sst s1;
	(tag) =	ssettag s2;
	_ =	strace s9  }
0x27: {  	s1 =	sld [smem:$0x3FAD]  }
0x28: {  	s2 =	sld [smem:$0x3FAE]  }
0x29: {  	s4 =	sld [smem:$0x3FB0]  }
0x2a: {  	p0 =	seq.s32 s5, $0x0;
	s5 =	sld [smem:$0x3FB1]  }
0x2b: {  	s6 =	sld [smem:$0x3FB2]  }
0x2c: {  	s7 =	sld [smem:$0x3FB3]  }
0x2d: {  	s3 =	simm.s32 $0x108;
	s8 =	sld [smem:$0x3FB4]  }
0x2e: {  	s3 =	simm.s32 @!p0 $0x1082;
	s9 =	sld [smem:$0x3FB5]  }
0x2f: {  	lr =	sadd.s32 s0, s3;
	s0 =	sld [smem:$0x3FAC]  }
0x30: {  	s3 =	sld [smem:$0x3FAF]  }
0x31: {  	[smem:$0x3FB8] =	sst s10  }
0x32: {  	s10 =	sld [smem:$0x3FB6];
	_ =	sdelay $0x3  }
0x33: {  	p0 =	seq.s32 s10, $0x1;
	s10 =	sld [smem:$0x3FB8];
	_ =	sdelay $0x3  }
0x34: {  	[smem:$0x3FB8] =	sst s10  }
0x35: {  	s10 =	sld [smem:$0x3FB7];
	_ =	sdelay $0x3  }
0x36: {  	p1 =	seq.s32 s10, $0x1;
	s10 =	sld [smem:$0x3FB8];
	_ =	sdelay $0x3  }
0x37: {  	[smem:$0x3FB8] =	sst s10  }
0x38: {  	s10 =	sld [smem:$0x3FB9]  }
0x39: {  	_ = 	snop;
	(pc) =	sbr.ind lr, $3  }
0x3a: {  	_ = 	snop  }
0x3b: {  	_ = 	snop  }
0x3c: {  	p2 =	seq.s32 s10, $0x1;
	s10 =	sld [smem:$0x3FB8]  }
0x3d: {  	_ =	shalt  }
0x3e: {  	_ =	shalt  }
0x3f: {  	_ =	shalt  }
0x40: {  	_ =	shalt  }
0x41: {  	_ =	shalt  }
0x42: {  	_ =	shalt  }
0x43: {  	_ =	shalt  }
0x44: {  	_ =	shalt  }
0x45: {  	_ =	shalt  }
0x46: {  	_ =	shalt  }
0x47: {  	_ =	shalt  }
0x48: {  	_ =	shalt  }
0x49: {  	_ =	shalt  }
0x4a: {  	_ =	shalt  }
0x4b: {  	_ =	shalt  }
0x4c: {  	_ =	shalt  }
0x4d: {  	_ =	shalt  }
0x4e: {  	_ =	shalt  }
0x4f: {  	_ =	shalt  }
0x50: {  	_ =	shalt  }
0x51: {  	_ =	shalt  }
0x52: {  	_ =	shalt  }
0x53: {  	_ =	shalt  }
0x54: {  	_ =	shalt  }
0x55: {  	_ =	shalt  }
0x56: {  	_ =	shalt  }
0x57: {  	_ =	shalt  }
0x58: {  	_ =	shalt  }
0x59: {  	_ =	shalt  }
0x5a: {  	_ =	shalt  }
0x5b: {  	_ =	shalt  }
0x5c: {  	_ =	shalt  }
0x5d: {  	_ =	shalt  }
0x5e: {  	_ =	shalt  }
0x5f: {  	_ =	shalt  }
0x60: {  	_ =	shalt  }
0x61: {  	_ =	shalt  }
0x62: {  	_ =	shalt  }
0x63: {  	_ =	shalt  }
0x64: {  	_ =	shalt  }
0x65: {  	_ =	shalt  }
0x66: {  	_ =	shalt  }
0x67: {  	_ =	shalt  }
0x68: {  	_ =	shalt  }
0x69: {  	_ =	shalt  }
0x6a: {  	_ =	shalt  }
0x6b: {  	_ =	shalt  }
0x6c: {  	_ =	shalt  }
0x6d: {  	_ =	shalt  }
0x6e: {  	_ =	shalt  }
0x6f: {  	_ =	shalt  }
0x70: {  	_ =	shalt  }
0x71: {  	_ =	shalt  }
0x72: {  	_ =	shalt  }
0x73: {  	_ =	shalt  }
0x74: {  	_ =	shalt  }
0x75: {  	_ =	shalt  }
0x76: {  	_ =	shalt  }
0x77: {  	_ =	shalt  }
0x78: {  	_ =	shalt  }
0x79: {  	_ =	shalt  }
0x7a: {  	_ =	shalt  }
0x7b: {  	_ =	shalt  }
0x7c: {  	_ =	shalt  }
0x7d: {  	_ =	shalt  }
0x7e: {  	_ =	shalt  }
0x7f: {  	_ =	shalt  }
0x80: {  	_ =	shalt  }
0x81: {  	_ =	shalt  }
0x82: {  	_ =	shalt  }
0x83: {  	_ =	shalt  }
0x84: {  	_ =	shalt  }
0x85: {  	_ =	shalt  }
0x86: {  	_ =	shalt  }
0x87: {  	_ =	shalt  }
.Lfunc_end0:
.L_simem_size_0:
called_computation_lowered:
.L_overlay_start_0:
0x88: {  	s2 =	sld [smem:$0x3FD9]  }
0x89: {  	s3 =	sld [smem:$0x3FFE];
	_ =	sdelay $0x1  }
0x8a: {  	s1 =	srdreg.scid  }
0x8b: {  	s0 =	sand.u32 $0x1, s1  }
0x8c: {  	s17 =	sshll.u32 s0, $0xA;
	s2 =	sadd.s32 s3, s2  }
0x8d: {  	s2 =	sadd.s32 s2, s17  }
0x8e: {  	[smem:$0x3FC4] =	sst s2  }
0x8f: {  	_ = 	snop  }
0x90: {  	s2 =	sld [smem:$0x3FC9]  }
0x91: {  	s18 =	sld [smem:$0x3FC8]  }
0x92: {  	s4 =	sld [smem:$0x3FC6];
	(tm) =	ssettm $0x1  }
0x93: {  	s5 =	sld [smem:$0x3FFB];
	_ =	sdelay $0x3  }
0x94: {  	_ =	strace s5  }
0x95: {  	s5 =	sld [smem:$0x3FFC];
	_ =	sdelay $0x3  }
0x96: {  	_ =	strace s5  }
0x97: {  	s5 =	sld [smem:$0x3FFD];
	_ =	sdelay $0x3  }
0x98: {  	_ =	strace s5  }
0x99: {  	_ =	strace $0x8FFFFFFF  }
0x9a: {  	s19 =	sld [smem:$0x3FDB];
	_ =	sdelay $0x1  }
0x9b: {  	s6 =	simm.s32 $_scs_section_size  }
0x9c: {  	s7 =	simm.s32 $_size__tile_overlayer_lowered;
	s8 =	simm.s32 $_tile_overlayer_lowered  }
0x9d: {  	s22 =	simm.s32 $0x1BFF;
	s21 =	sshll.u32 s8, $0x1;
	s5 =	sadd.s32 s6, s19  }
0x9e: {  	s9 =	simm.s32 $0x0;
	s20 =	sshll.u32 s7, $0x1;
	s7 =	sadd.s32 s21, s5  }
0x9f: {  	[timem:s9], [sflag:s22] =	dma.local [hbm:s7], s20  }
0xa0: {  	_ =	swait.ge [sflag:s22], s20  }
0xa1: {  	s6 =	ssub.s32 $0x0, s20;
	[sflag:s22] =	ssyncset.done $0x0  }
0xa2: {  	[sflag:s22] =	ssyncadd.s32 s6;
	_ =	sdelay $0x1  }
0xa3: {  	s23 =	simm.s32 $0x1B8B  }
0xa4: {  	_ =	swait.ge [sflag:s23], $0x1  }
0xa5: {  	[sflag:s23] =	ssyncset.done $0x0  }
0xa6: {  	s25 =	simm.s32 $0x1B8E;
	s24 =	sld [smem:$0x3FFE];
	[sflag:s23] =	ssyncadd.s32 $0xFFFFFFFF  }
0xa7: {  	s26 =	simm.s32 $execute0_lowered;
	[smem:$0x3FD2] =	sst s25  }
0xa8: {  	s7 =	sshll.u32 s26, $0x1;
	_ =	strace $0x80000046;
	[dreg:$0x1] =	wrdreg $0xFFFFFFFF  }
0xa9: {  	s28 =	simm.s32 $_size_execute0_lowered;
	s5 =	sadd.s32 s5, s7;
	[dreg:$0x0] =	wrdreg $0x0  }
0xaa: {  	s7 =	sshll.u32 s28, $0x1;
	[dreg:$0x2] =	wrdreg s5  }
0xab: {  	[dreg:$0x3] =	wrdreg s7  }
0xac: {  	[dreg:$0x4] =	wrdreg $0xC0  }
0xad: {  	_ =	task [dreg:s9], $0x5FFFF  }
0xae: {  	[dreg:$0x1] =	wrdreg $0xFFFFFFFF  }
0xaf: {  	[dreg:$0x0] =	wrdreg $0x60  }
0xb0: {  	[dreg:$0x2] =	wrdreg s2  }
0xb1: {  	[dreg:$0x3] =	wrdreg s18  }
0xb2: {  	[dreg:$0x4] =	wrdreg s24  }
0xb3: {  	[dreg:$0x5] =	wrdreg s4  }
0xb4: {  	[dreg:$0x6] =	wrdreg $0x9  }
0xb5: {  	_ =	task.clear_ibuf [dreg:s9], $0x7FFFF;
	_ =	strace $0x90000046  }
0xb6: {  	s29 =	simm.s32 $0x9;
	_ =	strace $0x80000048  }
0xb7: {  	_ =	swait.ge [sflag:s29], $0x1  }
0xb8: {  	[sflag:s29] =	ssyncadd.s32 $0xFFFFFFFF  }
0xb9: {  	_ =	strace $0x90000048  }
0xba: {  	_ =	sfence  }
0xbb: {  	s30 =	sld [smem:$0x0];
	_ =	sdelay $0x2  }
0xbc: {  	s31 =	sshll.u32 s1, $0xD;
	s1 =	sshrl.u32 s1, $0x2  }
0xbd: {  	s3 =	sand.u32 $0x4000, s31;
	s1 =	sadd.s32 s1, s30  }
0xbe: {  	s0 =	sor.u32 s3, s0;
	s1 =	sshll.u32 s1, $0x11  }
0xbf: {  	s0 =	sor.u32 s1, s0  }
0xc0: {  	s0 =	sadd.s32 $0x8F2B, s0  }
0xc1: {  	[sflag:s0] =	ssyncadd.remote.s32 $0x1  }
0xc2: {  	_ =	sfence.sel $0xFFFF  }
0xc3: {  	[dreg:$0x0] =	wrdreg $0xFFFFFFFF;
	(pc) =	sbr.abs _section_cstart, $3  }
0xc4: {  	[dreg:$0x1] =	wrdreg $0xFFFFFFFF  }
0xc5: {  	_ =	task.clear_ibuf [dreg:s9], $0x2FFFF;
	_ =	strace $0x9FFFFFFF  }
0xc6: {  	(tm) =	ssettm $0x7FFFFFFF  }
0xc7: {  	_ =	shalt  }
tec
execute0_lowered:
.L_overlay_start_1:
0x0: {  	(tag) =	ssettag $0x1  }
0x1: {  	s5 =	rddreg [dreg:$0x0]  }
0x2: {  	s6 =	rddreg [dreg:$0x1]  }
0x3: {  	v0 =	vimm.s32 $0xFEDCBA98;
	s7 =	rddreg [dreg:$0x2];
	v1 =	vimm.s32 $0x76543210  }
0x4: {  	s0 =	rddreg [dreg:$0x3];
	s3 =	srdreg.scid;
	s2 =	simm.s32 $0x0;
	v2 =	vimm.s32 $0xBA98FEDC;
	v3 =	vimm.s32 $0x32107654;
	v4 =	vimm.s32 $0xDCFE98BA  }
0x5: {  	s1 =	stileid.u32;
	v5 =	vimm.s32 $0x54761032;
	v6 =	vimm.s32 $0xEFCDAB89;
	s11 =	simm.s32 $0x500;
	s12 =	simm.s32 $0x1  }
0x6: {  	v7 =	vimm.s32 $0x67452301;
	s13 =	simm.s32 $0x14100;
	s14 =	simm.s32 $0x2;
	s15 =	simm.s32 $0x0;
	v0 =	vunpack.c.l.s4.s8 v0;
	v1 =	vunpack.c.l.s4.s8 v1  }
0x7: {  	s8 =	sand.u32 $0x1, s3;
	[smem:$0x7FF] =	sst s2;
	s10 =	sshll.u32 s1, $0x9;
	v2 =	vunpack.c.l.s4.s8 v2;
	v3 =	vunpack.c.l.s4.s8 v3;
	v4 =	vunpack.c.l.s4.s8 v4  }
0x8: {  	s3 =	rddreg [dreg:$0x4];
	s4 =	sadd.s32 $0x400, s7;
	v5 =	vunpack.c.l.s4.s8 v5;
	v6 =	vunpack.c.l.s4.s8 v6;
	v7 =	vunpack.c.l.s4.s8 v7;
	s9 =	sshll.u32 s8, $0xD  }
.Ltmp0:
0x9: {  	s8 =	ssub.s32 $0x2, s8;
	v0 =	vunpack.c.0.s8.s32 v0;
	v1 =	vunpack.c.0.s8.s32 v1;
	s9 =	sor.u32 s10, s9;
	v2 =	vunpack.c.0.s8.s32 v2;
	(pc) =	sbr.rel .LBB2_1-.Ltmp0, $4  }
0xa: {  	_ =	strace $0x80000047;
	s31 =	sshrl.u32 s8, $0x1;
	v3 =	vunpack.c.0.s8.s32 v3;
	v4 =	vunpack.c.0.s8.s32 v4;
	v5 =	vunpack.c.0.s8.s32 v5;
	s10 =	sshll.u32 s9, $0x4  }
0xb: {  	v6 =	vunpack.c.0.s8.s32 v6;
	v7 =	vunpack.c.0.s8.s32 v7;
	s9 =	sshrl.u32 s9, $0x3;
	s8 =	ssub.s32 s8, s31;
	v0 =	vand.u32 $0xF, v0;
	s7 =	sadd.s32 s10, s7  }
0xc: {  	s5 =	sadd.s32 s5, s9;
	s6 =	sadd.s32 s6, s9;
	s8 =	smax.u32 s8, $0x1;
	v0 =	vcombine.low v0, v1;
	v1 =	vcombine.low v3, v2  }
0xd: {  	s9 =	simm.s32 $0x3;
	s10 =	simm.s32 $0x280;
	s7 =	sadd.s32 $0xF42800, s7;
	v2 =	vcombine.low v5, v4;
	v3 =	vcombine.low v7, v6  }
.LBB2_18:
0xe: {  	s15 =	sadd.s32 $0x1, s15  }
0xf: {  	p0 =	sne.s32 s15, s8  }
.Ltmp1:
0x10: {  	_ = 	snop;
	(pc) =	sbr.rel @!p0 .LBB2_19-.Ltmp1, $1  }
0x11: {  	_ =	sdelay $0x3  }
.LBB2_1:
0x12: {  	[tilespmem:s2], [sflag:$0x3] =	stream.linear.gather [hbm4b:s5+s2], $0x200, $0x38;
	[tilespmem:$0x16100] =	vst v63  }
0x13: {  	_ =	swait.ge [sflag:s9], $0x200  }
0x14: {  	[sflag:s9] =	ssyncset.done $0x0  }
0x15: {  	[sflag:s9] =	ssyncadd.s32 $0xFFFFFE00  }
0x16: {  	[tilespmem:s10], [sflag:$0x3] =	stream.linear.gather [hbm4b:s6+s2], $0x200, $0x38;
	[tilespmem:$0x16100] =	vst v63  }
0x17: {  	_ =	swait.ge [sflag:s9], $0x200  }
0x18: {  	[sflag:s9] =	ssyncset.done $0x0  }
0x19: {  	[sflag:s9] =	ssyncadd.s32 $0xFFFFFE00  }
0x1a: {  	[tilespmem:s11], [sflag:$0x3] =	stream.linear.gather [hbm4b:s0+s2], $0xFA00, $0x38;
	[tilespmem:$0x16100] =	vst v63  }
0x1b: {  	_ =	swait.ge [sflag:s9], $0xFA00  }
0x1c: {  	[sflag:s9] =	ssyncset.done $0x0  }
0x1d: {  	s16 =	simm.s32 $0x0;
	[sflag:s9] =	ssyncadd.s32 $0xFFFF0600  }
0x1e: {  	v4 =	vld [tilespmem:s16+$0x0];
	_ =	sdelay $0x4  }
0x1f: {  	(v2sf) =	vpush v4, $0x0;
	_ =	sdelay $0xe  }
0x20: {  	s30 =	spop (v2sf)  }
0x21: {  	s16 =	sshll.u32 s30, $0x4  }
0x22: {  	s16 =	sand.u32 $0x1FFFFFF0, s16  }
0x23: {  	s17 =	simm.s32 $0x10100;
	s31 =	simm.s32 $0x1;
	s16 =	sadd.s32 s4, s16  }
0x24: {  	[tilespmem:s17], [sflag:$0x1] =	stream.linear.gather [hbm4b:s16+s2], $0x80, $0x38;
	[tilespmem:$0x16100] =	vst v63  }
0x25: {  	s18 =	simm.s32 $0x8;
	v4 =	vld [tilespmem:s31+$0x0]  }
.LBB2_2:
0x26: {  	p0 =	sne.s32 s18, $0xFC;
	_ =	sdelay $0x3  }
0x27: {  	(v2sf) =	vpush v4, $0x0;
	_ =	sdelay $0xe  }
0x28: {  	s16 =	spop (v2sf)  }
.Ltmp2:
0x29: {  	s16 =	sshll.u32 s16, $0x4;
	(pc) =	sbr.rel @p0 .LBB2_2-.Ltmp2, $4  }
0x2a: {  	s17 =	sadd.s32 $0x80, s17;
	s16 =	sand.u32 $0x1FFFFFF0, s16  }
0x2b: {  	s19 =	sshra.s32 s18, $0x2;
	s20 =	sadd.s32 s4, s16;
	s16 =	simm.s32 $0x0  }
0x2c: {  	[tilespmem:s17], [sflag:$0x1] =	stream.linear.gather [hbm4b:s20+s16], $0x80, $0x38;
	[tilespmem:$0x16100] =	vst v63  }
0x2d: {  	s18 =	sadd.s32 $0x4, s18;
	v4 =	vld [tilespmem:s19+$0x0]  }
0x2e: {  	_ =	sdelay $0x3  }
0x2f: {  	(v2sf) =	vpush v4, $0x0;
	_ =	sdelay $0xe  }
0x30: {  	s18 =	spop (v2sf)  }
0x31: {  	s18 =	sshll.u32 s18, $0x4  }
0x32: {  	s18 =	sand.u32 $0x1FFFFFF0, s18  }
0x33: {  	s17 =	sadd.s32 $0x80, s17;
	s19 =	simm.s32 $0x80;
	s18 =	sadd.s32 s4, s18  }
0x34: {  	[tilespmem:s17], [sflag:$0x1] =	stream.linear.gather [hbm4b:s18+s16], $0x80, $0x38;
	[tilespmem:$0x16100] =	vst v63  }
0x35: {  	s20 =	simm.s32 $0x2C0;
	s17 =	simm.s32 $0x40;
	s18 =	simm.s32 $0x280  }
.LBB2_4:
0x36: {  	v4 =	vmov s17;
	p1 =	por $0x1, $0x1  }
.Ltmp3:
0x37: {  	_ = 	snop;
	(pc) =	sbr.rel @!p1 .LBB2_5-.Ltmp3, $3  }
0x38: {  	_ =	sdelay $0x1  }
0x39: {  	s23 =	simm.s32 $0x0  }
0x3a: {  	s21 =	sshllo.u32 s16, $0x1;
	s22 =	simm.s32 $0x12100;
	p0 =	por $0x0, $0x0;
	v5 =	vld.idx.msk [tilespmem:v4+s23+$0x0 ss:$0x1], $0xffff  }
0x3b: {  	_ =	sdelay $0x3  }
0x3c: {  	(v2sf) =	vpush v5, $0x0;
	_ =	sdelay $0xe  }
0x3d: {  	p1 =	por $0x1, $0x1;
	s23 =	spop (v2sf)  }
.Ltmp4:
0x3e: {  	s23 =	sshll.u32 s23, $0x4;
	(pc) =	sbr.rel @!p1 .LBB2_7-.Ltmp4, $4  }
0x3f: {  	s23 =	sand.u32 $0x1FFFFFF0, s23  }
0x40: {  	s31 =	simm.s32 $0x1;
	s23 =	sadd.s32 s4, s23  }
0x41: {  	[tilespmem:s22], [sflag:$0x2] =	stream.linear.gather [hbm4b:s23+s2], $0x80, $0x38;
	[tilespmem:$0x16100] =	vst v63  }
0x42: {  	s24 =	simm.s32 $0x8;
	p0 =	por $0x1, $0x1;
	s23 =	simm.s32 $0x12100;
	v5 =	vld.idx.msk [tilespmem:v4+s31+$0x0 ss:$0x1], $0xffff  }
.LBB2_8:
0x43: {  	p1 =	sne.s32 s24, $0xFC;
	_ =	sdelay $0x4  }
0x44: {  	(v2sf) =	vpush v5, $0x0;
	_ =	sdelay $0xe  }
0x45: {  	s25 =	spop (v2sf)  }
.Ltmp5:
0x46: {  	s25 =	sshll.u32 s25, $0x4;
	(pc) =	sbr.rel @p1 .LBB2_8-.Ltmp5, $4  }
0x47: {  	s25 =	sand.u32 $0x1FFFFFF0, s25  }
0x48: {  	s26 =	sshra.s32 s24, $0x2;
	s23 =	sadd.s32 $0x80, s23;
	s25 =	sadd.s32 s4, s25  }
0x49: {  	[tilespmem:s23], [sflag:$0x2] =	stream.linear.gather [hbm4b:s25+s2], $0x80, $0x38;
	[tilespmem:$0x16100] =	vst v63  }
0x4a: {  	s24 =	sadd.s32 $0x4, s24;
	v5 =	vld.idx.msk [tilespmem:v4+s26+$0x0 ss:$0x1], $0xffff  }
.LBB2_9:
0x4b: {  	_ =	sdelay $0x3  }
0x4c: {  	(v2sf) =	vpush v5, $0x0;
	_ =	sdelay $0xe  }
0x4d: {  	s24 =	spop (v2sf)  }
0x4e: {  	s24 =	sshll.u32 s24, $0x4  }
0x4f: {  	s23 =	sadd.s32 @p0 $0x80, s23;
	s24 =	sand.u32 $0x1FFFFFF0, s24  }
0x50: {  	s22 =	smov.u32 @p0 s23;
	s24 =	sadd.s32 s4, s24  }
0x51: {  	[tilespmem:s22], [sflag:$0x2] =	stream.linear.gather [hbm4b:s24+s2], $0x80, $0x38;
	[tilespmem:$0x16100] =	vst v63  }
0x52: {  	_ =	swait.ge [sflag:s12], $0x2000  }
0x53: {  	[sflag:s12] =	ssyncset.done $0x0  }
0x54: {  	[sflag:s12] =	ssyncadd.s32 $0xFFFFE000  }
0x55: {  	v4 =	vld [tilespmem:s18+$0x0]  }
0x56: {  	s23 =	simm.s32 $0x200;
	s22 =	simm.s32 $0x0;
	s24 =	smov.u32 s18  }
.LBB2_10:
0x57: {  	p0 =	sne.s32 s23, $0x7E00;
	_ =	sdelay $0x2  }
0x58: {  	(v2sf) =	vpush v4, $0x0;
	_ =	sdelay $0xd  }
0x59: {  	s25 =	sshra.s32 s22, $0x2;
	s22 =	smov.u32 s23  }
0x5a: {  	v4 =	vld [tilespmem:s25+$0x10100];
	s26 =	spop (v2sf)  }
0x5b: {  	s26 =	sshll.u32 s26, $0x6;
	v5 =	vld [tilespmem:s25+$0x10110]  }
0x5c: {  	v6 =	vld [tilespmem:s26+$0x500]  }
0x5d: {  	v7 =	vld [tilespmem:s26+$0x510]  }
0x5e: {  	v8 =	vld [tilespmem:s25+$0x10120]  }
0x5f: {  	v9 =	vld [tilespmem:s26+$0x520]  }
0x60: {  	v10 =	vld [tilespmem:s25+$0x10130]  }
0x61: {  	v11 =	vld [tilespmem:s26+$0x530]  }
0x62: {  	v4 =	vadd.f32 v6, v4;
	v5 =	vadd.f32 v7, v5;
	_ =	sdelay $0x1  }
0x63: {  	v6 =	vmul.f32 v4, v4;
	v7 =	vmul.f32 v5, v5;
	v8 =	vadd.f32 v9, v8;
	_ =	sdelay $0x1  }
0x64: {  	v6 =	vadd.f32 v7, v6;
	v7 =	vmul.f32 v8, v8;
	v9 =	vadd.f32 v11, v10;
	_ =	sdelay $0x1  }
0x65: {  	v6 =	vadd.f32 v7, v6;
	v7 =	vmul.f32 v9, v9;
	_ =	sdelay $0x1  }
0x66: {  	v6 =	vadd.f32 v7, v6;
	_ =	sdelay $0x1  }
0x67: {  	v7 =	vperm.xlane v6, v0;
	_ =	sdelay $0x1  }
0x68: {  	v6 =	vadd.f32 v6, v7;
	_ =	sdelay $0x1  }
0x69: {  	v7 =	vperm.xlane v6, v1;
	_ =	sdelay $0x1  }
0x6a: {  	v6 =	vadd.f32 v6, v7;
	_ =	sdelay $0x1  }
0x6b: {  	v7 =	vperm.xlane v6, v2;
	_ =	sdelay $0x1  }
0x6c: {  	v6 =	vadd.f32 v6, v7;
	_ =	sdelay $0x1  }
0x6d: {  	v7 =	vperm.xlane v6, v3;
	_ =	sdelay $0x1  }
0x6e: {  	v6 =	vadd.f32 v6, v7;
	_ =	sdelay $0x1  }
0x6f: {  	v6 =	vmax.f32 v6, $1.000000020e-24  }
0x70: {  	v7 =	vshra.s32 v6, $0x1;
	v6 =	vmul.f32 $5.000000000e-01, v6  }
0x71: {  	v7 =	vsub.s32 $0x5F3759DF, v7  }
0x72: {  	v10 =	vmul.f32 v7, v6;
	_ =	sdelay $0x1  }
0x73: {  	v10 =	vmul.f32 v7, v10;
	_ =	sdelay $0x1  }
0x74: {  	v10 =	vsub.f32 $1.500000000e+00, v10;
	_ =	sdelay $0x1  }
0x75: {  	v7 =	vmul.f32 v7, v10;
	_ =	sdelay $0x1  }
0x76: {  	v10 =	vmul.f32 v7, v6;
	_ =	sdelay $0x1  }
0x77: {  	v10 =	vmul.f32 v10, v7;
	_ =	sdelay $0x1  }
0x78: {  	v10 =	vsub.f32 $1.500000000e+00, v10;
	_ =	sdelay $0x1  }
0x79: {  	v7 =	vmul.f32 v10, v7;
	_ =	sdelay $0x1  }
0x7a: {  	v6 =	vmul.f32 v7, v6;
	_ =	sdelay $0x1  }
0x7b: {  	v6 =	vmul.f32 v6, v7;
	_ =	sdelay $0x1  }
0x7c: {  	v6 =	vsub.f32 $1.500000000e+00, v6;
	_ =	sdelay $0x1  }
0x7d: {  	v6 =	vmul.f32 v6, v7;
	_ =	sdelay $0x1  }
0x7e: {  	v4 =	vmul.f32 v6, v4;
	v5 =	vmul.f32 v6, v5  }
0x7f: {  	v7 =	vmul.f32 v6, v8;
	v6 =	vmul.f32 v6, v9  }
0x80: {  	[tilespmem:s25+$0x14100] =	vst v4  }
.Ltmp6:
0x81: {  	[tilespmem:s25+$0x14110] =	vst v5;
	(pc) =	sbr.rel @p0 .LBB2_10-.Ltmp6, $4  }
0x82: {  	[tilespmem:s25+$0x14120] =	vst v7  }
0x83: {  	s24 =	sadd.s32 $0x1, s24;
	[tilespmem:s25+$0x14130] =	vst v6  }
0x84: {  	v4 =	vld [tilespmem:s24+$0x0]  }
0x85: {  	s23 =	sadd.s32 $0x200, s23  }
0x86: {  	_ =	sdelay $0x2  }
0x87: {  	(v2sf) =	vpush v4, $0x0;
	_ =	sdelay $0xd  }
0x88: {  	s22 =	sshra.s32 s22, $0x2  }
0x89: {  	v5 =	vld [tilespmem:s22+$0x10110];
	s23 =	spop (v2sf)  }
0x8a: {  	v4 =	vld [tilespmem:s22+$0x10100];
	s23 =	sshll.u32 s23, $0x6  }
0x8b: {  	v6 =	vld [tilespmem:s23+$0x500]  }
0x8c: {  	v7 =	vld [tilespmem:s23+$0x510]  }
0x8d: {  	v8 =	vld [tilespmem:s22+$0x10120]  }
0x8e: {  	v9 =	vld [tilespmem:s23+$0x520]  }
0x8f: {  	v10 =	vld [tilespmem:s22+$0x10130]  }
0x90: {  	v11 =	vld [tilespmem:s23+$0x530]  }
0x91: {  	v4 =	vadd.f32 v6, v4;
	v5 =	vadd.f32 v7, v5;
	_ =	sdelay $0x1  }
0x92: {  	v8 =	vadd.f32 v9, v8;
	v6 =	vmul.f32 v4, v4;
	v7 =	vmul.f32 v5, v5;
	_ =	sdelay $0x1  }
0x93: {  	v60 =	vadd.f32 v11, v10;
	v59 =	vmul.f32 v8, v8;
	v6 =	vadd.f32 v7, v6;
	_ =	sdelay $0x1  }
0x94: {  	v61 =	vmul.f32 v60, v60;
	v6 =	vadd.f32 v59, v6;
	_ =	sdelay $0x1  }
0x95: {  	v6 =	vadd.f32 v61, v6;
	_ =	sdelay $0x1  }
0x96: {  	v7 =	vperm.xlane v6, v0;
	_ =	sdelay $0x1  }
0x97: {  	v6 =	vadd.f32 v6, v7;
	_ =	sdelay $0x1  }
0x98: {  	v7 =	vperm.xlane v6, v1;
	_ =	sdelay $0x1  }
0x99: {  	v6 =	vadd.f32 v6, v7;
	_ =	sdelay $0x1  }
0x9a: {  	v7 =	vperm.xlane v6, v2;
	_ =	sdelay $0x1  }
0x9b: {  	v6 =	vadd.f32 v6, v7;
	_ =	sdelay $0x1  }
0x9c: {  	v7 =	vperm.xlane v6, v3;
	_ =	sdelay $0x1  }
0x9d: {  	v6 =	vadd.f32 v6, v7;
	_ =	sdelay $0x1  }
0x9e: {  	v6 =	vmax.f32 v6, $1.000000020e-24  }
0x9f: {  	v62 =	vshra.s32 v6, $0x1;
	v6 =	vmul.f32 $5.000000000e-01, v6  }
0xa0: {  	v7 =	vsub.s32 $0x5F3759DF, v62  }
0xa1: {  	v63 =	vmul.f32 v7, v6;
	_ =	sdelay $0x1  }
0xa2: {  	v10 =	vmul.f32 v7, v63;
	_ =	sdelay $0x1  }
0xa3: {  	v10 =	vsub.f32 $1.500000000e+00, v10;
	_ =	sdelay $0x1  }
0xa4: {  	v7 =	vmul.f32 v7, v10;
	_ =	sdelay $0x1  }
0xa5: {  	v10 =	vmul.f32 v7, v6;
	_ =	sdelay $0x1  }
0xa6: {  	v10 =	vmul.f32 v10, v7;
	_ =	sdelay $0x1  }
0xa7: {  	v10 =	vsub.f32 $1.500000000e+00, v10;
	_ =	sdelay $0x1  }
0xa8: {  	v7 =	vmul.f32 v10, v7;
	_ =	sdelay $0x1  }
0xa9: {  	v6 =	vmul.f32 v7, v6;
	_ =	sdelay $0x1  }
0xaa: {  	v6 =	vmul.f32 v6, v7;
	_ =	sdelay $0x1  }
0xab: {  	v6 =	vsub.f32 $1.500000000e+00, v6;
	_ =	sdelay $0x1  }
0xac: {  	v6 =	vmul.f32 v6, v7;
	_ =	sdelay $0x1  }
0xad: {  	v4 =	vmul.f32 v6, v4  }
0xae: {  	v5 =	vmul.f32 v6, v5  }
0xaf: {  	v7 =	vmul.f32 v6, v8;
	[tilespmem:s22+$0x14100] =	vst v4  }
0xb0: {  	v4 =	vmul.f32 v6, v60;
	[tilespmem:s22+$0x14110] =	vst v5  }
0xb1: {  	s30 =	sshll.u32 s16, $0xB;
	p0 =	seq.s32 s16, $0x3;
	[tilespmem:s22+$0x14120] =	vst v7  }
.Ltmp7:
0xb2: {  	s31 =	sadd.s32 s30, s7;
	s23 =	simm.s32 $0x0;
	[tilespmem:s22+$0x14130] =	vst v4;
	(pc) =	sbr.rel @p0 .LBB2_15-.Ltmp7, $4  }
0xb3: {  	[hbm4b:s31+s23] =	stream.linear.scatter [tilespmem:s13], [sflag:$0x3], $0x2000, $0x38;
	[tilespmem:$0x16100] =	vst v63  }
0xb4: {  	_ =	swait.ge [sflag:s9], $0x2000  }
0xb5: {  	[sflag:s9] =	ssyncset.done $0x0  }
0xb6: {  	s22 =	simm.s32 $0x10100;
	[sflag:s9] =	ssyncadd.s32 $0xFFFFE000  }
0xb7: {  	s24 =	sshra.s32 s23, $0x2  }
0xb8: {  	s24 =	sadd.s32 s24, s19  }
0xb9: {  	v4 =	vld [tilespmem:s24+$0x0];
	_ =	sdelay $0x4  }
0xba: {  	(v2sf) =	vpush v4, $0x0;
	_ =	sdelay $0xe  }
0xbb: {  	s29 =	spop (v2sf)  }
0xbc: {  	s30 =	sadd.s32 $0x4, s23;
	s24 =	sshll.u32 s29, $0x4  }
0xbd: {  	s25 =	sshra.s32 s30, $0x2;
	s24 =	sand.u32 $0x1FFFFFF0, s24  }
0xbe: {  	s31 =	sadd.s32 s25, s19;
	s24 =	sadd.s32 s4, s24  }
0xbf: {  	[tilespmem:s22], [sflag:$0x1] =	stream.linear.gather [hbm4b:s24+s2], $0x80, $0x38;
	[tilespmem:$0x16100] =	vst v63  }
0xc0: {  	s23 =	sadd.s32 $0x4, s30;
	v4 =	vld [tilespmem:s31+$0x0]  }
.LBB2_13:
0xc1: {  	p0 =	sne.s32 s23, $0xFC;
	_ =	sdelay $0x3  }
0xc2: {  	(v2sf) =	vpush v4, $0x0;
	_ =	sdelay $0xe  }
0xc3: {  	s24 =	spop (v2sf)  }
.Ltmp8:
0xc4: {  	s24 =	sshll.u32 s24, $0x4;
	(pc) =	sbr.rel @p0 .LBB2_13-.Ltmp8, $4  }
0xc5: {  	s25 =	sshra.s32 s23, $0x2;
	s24 =	sand.u32 $0x1FFFFFF0, s24  }
0xc6: {  	s22 =	sadd.s32 $0x80, s22;
	s25 =	sadd.s32 s25, s19;
	s24 =	sadd.s32 s4, s24  }
0xc7: {  	[tilespmem:s22], [sflag:$0x1] =	stream.linear.gather [hbm4b:s24+s2], $0x80, $0x38;
	[tilespmem:$0x16100] =	vst v63  }
0xc8: {  	s23 =	sadd.s32 $0x4, s23;
	v4 =	vld [tilespmem:s25+$0x0]  }
0xc9: {  	_ =	sdelay $0x3  }
0xca: {  	(v2sf) =	vpush v4, $0x0;
	_ =	sdelay $0xe  }
0xcb: {  	s23 =	spop (v2sf)  }
0xcc: {  	s23 =	sshll.u32 s23, $0x4  }
0xcd: {  	s23 =	sand.u32 $0x1FFFFFF0, s23  }
0xce: {  	s22 =	sadd.s32 $0x80, s22;
	s23 =	sadd.s32 s4, s23  }
0xcf: {  	[tilespmem:s22], [sflag:$0x1] =	stream.linear.gather [hbm4b:s23+s2], $0x80, $0x38;
	[tilespmem:$0x16100] =	vst v63  }
.LBB2_15:
0xd0: {  	_ =	swait.ge [sflag:s14], $0x2000  }
0xd1: {  	[sflag:s14] =	ssyncset.done $0x0  }
0xd2: {  	[sflag:s14] =	ssyncadd.s32 $0xFFFFE000  }
0xd3: {  	s16 =	sadd.s32 $0x1, s16;
	v4 =	vld [tilespmem:s20+$0x0]  }
0xd4: {  	s22 =	simm.s32 $0x0;
	s23 =	simm.s32 $0x200;
	s24 =	smov.u32 s20  }
.LBB2_16:
0xd5: {  	p0 =	sne.s32 s23, $0x7E00;
	_ =	sdelay $0x2  }
0xd6: {  	(v2sf) =	vpush v4, $0x0;
	_ =	sdelay $0xd  }
0xd7: {  	s25 =	sshra.s32 s22, $0x2;
	s22 =	smov.u32 s23  }
0xd8: {  	v4 =	vld [tilespmem:s25+$0x12100];
	s26 =	spop (v2sf)  }
0xd9: {  	s26 =	sshll.u32 s26, $0x6;
	v5 =	vld [tilespmem:s25+$0x12110]  }
0xda: {  	v6 =	vld [tilespmem:s26+$0x500]  }
0xdb: {  	v7 =	vld [tilespmem:s26+$0x510]  }
0xdc: {  	v8 =	vld [tilespmem:s25+$0x12120]  }
0xdd: {  	v9 =	vld [tilespmem:s26+$0x520]  }
0xde: {  	v10 =	vld [tilespmem:s25+$0x12130]  }
0xdf: {  	v11 =	vld [tilespmem:s26+$0x530]  }
0xe0: {  	v4 =	vadd.f32 v6, v4;
	v5 =	vadd.f32 v7, v5;
	_ =	sdelay $0x1  }
0xe1: {  	v6 =	vmul.f32 v4, v4;
	v7 =	vmul.f32 v5, v5;
	v8 =	vadd.f32 v9, v8;
	_ =	sdelay $0x1  }
0xe2: {  	v6 =	vadd.f32 v7, v6;
	v7 =	vmul.f32 v8, v8;
	v9 =	vadd.f32 v11, v10;
	_ =	sdelay $0x1  }
0xe3: {  	v6 =	vadd.f32 v7, v6;
	v7 =	vmul.f32 v9, v9;
	_ =	sdelay $0x1  }
0xe4: {  	v6 =	vadd.f32 v7, v6;
	_ =	sdelay $0x1  }
0xe5: {  	v7 =	vperm.xlane v6, v0;
	_ =	sdelay $0x1  }
0xe6: {  	v6 =	vadd.f32 v6, v7;
	_ =	sdelay $0x1  }
0xe7: {  	v7 =	vperm.xlane v6, v1;
	_ =	sdelay $0x1  }
0xe8: {  	v6 =	vadd.f32 v6, v7;
	_ =	sdelay $0x1  }
0xe9: {  	v7 =	vperm.xlane v6, v2;
	_ =	sdelay $0x1  }
0xea: {  	v6 =	vadd.f32 v6, v7;
	_ =	sdelay $0x1  }
0xeb: {  	v7 =	vperm.xlane v6, v3;
	_ =	sdelay $0x1  }
0xec: {  	v6 =	vadd.f32 v6, v7;
	_ =	sdelay $0x1  }
0xed: {  	v6 =	vmax.f32 v6, $1.000000020e-24  }
0xee: {  	v7 =	vshra.s32 v6, $0x1;
	v6 =	vmul.f32 $5.000000000e-01, v6  }
0xef: {  	v7 =	vsub.s32 $0x5F3759DF, v7  }
0xf0: {  	v10 =	vmul.f32 v7, v6;
	_ =	sdelay $0x1  }
0xf1: {  	v10 =	vmul.f32 v7, v10;
	_ =	sdelay $0x1  }
0xf2: {  	v10 =	vsub.f32 $1.500000000e+00, v10;
	_ =	sdelay $0x1  }
0xf3: {  	v7 =	vmul.f32 v7, v10;
	_ =	sdelay $0x1  }
0xf4: {  	v10 =	vmul.f32 v7, v6;
	_ =	sdelay $0x1  }
0xf5: {  	v10 =	vmul.f32 v10, v7;
	_ =	sdelay $0x1  }
0xf6: {  	v10 =	vsub.f32 $1.500000000e+00, v10;
	_ =	sdelay $0x1  }
0xf7: {  	v7 =	vmul.f32 v10, v7;
	_ =	sdelay $0x1  }
0xf8: {  	v6 =	vmul.f32 v7, v6;
	_ =	sdelay $0x1  }
0xf9: {  	v6 =	vmul.f32 v6, v7;
	_ =	sdelay $0x1  }
0xfa: {  	v6 =	vsub.f32 $1.500000000e+00, v6;
	_ =	sdelay $0x1  }
0xfb: {  	v6 =	vmul.f32 v6, v7;
	_ =	sdelay $0x1  }
0xfc: {  	v4 =	vmul.f32 v6, v4;
	v5 =	vmul.f32 v6, v5  }
0xfd: {  	v7 =	vmul.f32 v6, v8;
	v6 =	vmul.f32 v6, v9  }
0xfe: {  	[tilespmem:s25+$0x14100] =	vst v4  }
.Ltmp9:
0xff: {  	[tilespmem:s25+$0x14110] =	vst v5;
	(pc) =	sbr.rel @p0 .LBB2_16-.Ltmp9, $4  }
0x100: {  	[tilespmem:s25+$0x14120] =	vst v7  }
0x101: {  	s24 =	sadd.s32 $0x1, s24;
	[tilespmem:s25+$0x14130] =	vst v6  }
0x102: {  	v4 =	vld [tilespmem:s24+$0x0]  }
0x103: {  	s23 =	sadd.s32 $0x200, s23  }
0x104: {  	_ =	sdelay $0x2  }
0x105: {  	(v2sf) =	vpush v4, $0x0;
	_ =	sdelay $0xd  }
0x106: {  	s22 =	sshra.s32 s22, $0x2  }
0x107: {  	v5 =	vld [tilespmem:s22+$0x12110];
	s23 =	spop (v2sf)  }
0x108: {  	v4 =	vld [tilespmem:s22+$0x12100];
	s23 =	sshll.u32 s23, $0x6  }
0x109: {  	v6 =	vld [tilespmem:s23+$0x500]  }
0x10a: {  	v7 =	vld [tilespmem:s23+$0x510]  }
0x10b: {  	v8 =	vld [tilespmem:s22+$0x12120]  }
0x10c: {  	v9 =	vld [tilespmem:s23+$0x520]  }
0x10d: {  	v10 =	vld [tilespmem:s22+$0x12130]  }
0x10e: {  	v11 =	vld [tilespmem:s23+$0x530]  }
0x10f: {  	v4 =	vadd.f32 v6, v4;
	v5 =	vadd.f32 v7, v5;
	_ =	sdelay $0x1  }
0x110: {  	v8 =	vadd.f32 v9, v8;
	v6 =	vmul.f32 v4, v4;
	v7 =	vmul.f32 v5, v5;
	_ =	sdelay $0x1  }
0x111: {  	v60 =	vadd.f32 v11, v10;
	v59 =	vmul.f32 v8, v8;
	v6 =	vadd.f32 v7, v6;
	_ =	sdelay $0x1  }
0x112: {  	v61 =	vmul.f32 v60, v60;
	v6 =	vadd.f32 v59, v6;
	_ =	sdelay $0x1  }
0x113: {  	v6 =	vadd.f32 v61, v6;
	_ =	sdelay $0x1  }
0x114: {  	v7 =	vperm.xlane v6, v0;
	_ =	sdelay $0x1  }
0x115: {  	v6 =	vadd.f32 v6, v7;
	_ =	sdelay $0x1  }
0x116: {  	v7 =	vperm.xlane v6, v1;
	_ =	sdelay $0x1  }
0x117: {  	v6 =	vadd.f32 v6, v7;
	_ =	sdelay $0x1  }
0x118: {  	v7 =	vperm.xlane v6, v2;
	_ =	sdelay $0x1  }
0x119: {  	v6 =	vadd.f32 v6, v7;
	_ =	sdelay $0x1  }
0x11a: {  	v7 =	vperm.xlane v6, v3;
	_ =	sdelay $0x1  }
0x11b: {  	v6 =	vadd.f32 v6, v7;
	_ =	sdelay $0x1  }
0x11c: {  	v6 =	vmax.f32 v6, $1.000000020e-24  }
0x11d: {  	v62 =	vshra.s32 v6, $0x1;
	v6 =	vmul.f32 $5.000000000e-01, v6  }
0x11e: {  	v7 =	vsub.s32 $0x5F3759DF, v62  }
0x11f: {  	v63 =	vmul.f32 v7, v6;
	_ =	sdelay $0x1  }
0x120: {  	v10 =	vmul.f32 v7, v63;
	_ =	sdelay $0x1  }
0x121: {  	v10 =	vsub.f32 $1.500000000e+00, v10;
	_ =	sdelay $0x1  }
0x122: {  	v7 =	vmul.f32 v7, v10;
	_ =	sdelay $0x1  }
0x123: {  	v10 =	vmul.f32 v7, v6;
	_ =	sdelay $0x1  }
0x124: {  	v10 =	vmul.f32 v10, v7;
	_ =	sdelay $0x1  }
0x125: {  	v10 =	vsub.f32 $1.500000000e+00, v10;
	_ =	sdelay $0x1  }
0x126: {  	v7 =	vmul.f32 v10, v7;
	_ =	sdelay $0x1  }
0x127: {  	v6 =	vmul.f32 v7, v6;
	_ =	sdelay $0x1  }
0x128: {  	v6 =	vmul.f32 v6, v7;
	_ =	sdelay $0x1  }
0x129: {  	v6 =	vsub.f32 $1.500000000e+00, v6;
	_ =	sdelay $0x1  }
0x12a: {  	v6 =	vmul.f32 v6, v7;
	_ =	sdelay $0x1  }
0x12b: {  	v4 =	vmul.f32 v6, v4  }
0x12c: {  	v5 =	vmul.f32 v6, v5  }
0x12d: {  	v7 =	vmul.f32 v6, v8;
	[tilespmem:s22+$0x14100] =	vst v4  }
0x12e: {  	v4 =	vmul.f32 v6, v60;
	[tilespmem:s22+$0x14110] =	vst v5  }
0x12f: {  	s21 =	sshll.u32 s21, $0xA;
	[tilespmem:s22+$0x14120] =	vst v7  }
0x130: {  	p0 =	sne.s32 s16, $0x4;
	s21 =	sadd.s32 s21, s7;
	[tilespmem:s22+$0x14130] =	vst v4  }
0x131: {  	[hbm4b:s21+s2] =	stream.linear.scatter [tilespmem:s13], [sflag:$0x3], $0x2000, $0x38;
	[tilespmem:$0x16100] =	vst v63  }
.Ltmp10:
0x132: {  	_ = 	snop;
	(pc) =	sbr.rel @p0 .LBB2_4-.Ltmp10, $4  }
.Ltmp11:
0x133: {  	_ = 	snop;
	(pc) =	sbr.rel @!p0 .LBB2_18-.Ltmp11, $4  }
0x134: {  	_ =	swait.ge [sflag:s9], $0x2000  }
0x135: {  	s17 =	sadd.s32 $0x80, s17;
	s18 =	sadd.s32 $0x80, s18;
	[sflag:s9] =	ssyncset.done $0x0  }
0x136: {  	s19 =	sadd.s32 $0x80, s19;
	s20 =	sadd.s32 $0x80, s20;
	[sflag:s9] =	ssyncadd.s32 $0xFFFFE000  }
0x137: {  	_ = 	snop  }
.LBB2_5:
.Ltmp12:
0x138: {  	(pc) =	sbr.rel .LBB2_9-.Ltmp12, $2  }
0x139: {  	_ =	sdelay $0x2  }
0x13a: {  	s23 =	simm.s32 $0x12100  }
.LBB2_7:
.Ltmp13:
0x13b: {  	(pc) =	sbr.rel .LBB2_9-.Ltmp13, $2  }
0x13c: {  	_ =	sdelay $0x2  }
0x13d: {  	s23 =	simm.s32 $0x12100  }
.LBB2_19:
0x13e: {  	_ =	sfence.sel $0x180000  }
0x13f: {  	[bflag:$0x0] =	sbarrier.arrive $0xFFFF  }
0x140: {  	p0 =	sne.s32 s1, $0x0;
	_ =	strace $0x90000047  }
0x141: {  	s0 =	sadd.s32 @!p0 $0x100000, s3;
	[bflag:$0x2] =	sbarrier.arrive $0xFFFF  }
0x142: {  	[sflag:s0] =	ssyncadd.tile.s32 @!p0 $0x1;
	_ =	shalt  }
.Lfunc_end2:
_tile_overlayer_lowered:
.L_overlay_start_2:
0x143: {  	(tag) =	ssettag $0x2  }
0x144: {  	s0 =	rddreg [dreg:$0x0];
	s2 =	stileid.u32  }
0x145: {  	s1 =	rddreg [dreg:$0x1];
	p0 =	sne.s32 s2, $0x0  }
0x146: {  	s3 =	rddreg [dreg:$0x2];
	[bflag:$0x3] =	sbarrier.arrive $0xFFFF;
	s2 =	simm.s32 @!p0 $0x1C03  }
0x147: {  	[timem:s3], [sflag:s2] =	dma.local @!p0 [hbm:s0], s1  }
0x148: {  	s0 =	simm.s32 @!p0 $0x3  }
0x149: {  	_ =	swait.ge @!p0 [sflag:s0], s1  }
0x14a: {  	s1 =	ssub.s32 @!p0 $0x0, s1;
	[sflag:s0] =	ssyncset.done @!p0 $0x0  }
0x14b: {  	[sflag:s0] =	ssyncadd.s32 @!p0 s1  }
0x14c: {  	[bflag:$0x3] =	sbarrier.arrive $0xFFFF  }
0x14d: {  	_ =	shalt  }

</sc_bundles>
